<compile_context>
chip_gen: v7x
topology: tpu7x:2x2x1
jax: 0.10.2.dev20260603
libtpu: 0.0.44.dev20260713+nightly
codegen_flags: <defaults>
</compile_context>

<pallas_src>
import jax
import jax.numpy as jnp
from jax import lax
from jax.experimental import pallas as pl
from jax.experimental.pallas import tpu as pltpu
from jax.experimental.pallas import tpu_sc as plsc

N = 10000
E = 320000
D = 128

NC, NS = 2, 16
NW = NC * NS
EPW = E // NW
CH = 128
EPWP = 10240
NCH = EPWP // CH
PAD = EPWP - EPW
NP = 10240
RPT = NP // NS

_MESH = plsc.VectorSubcoreMesh(core_axis_name="c", subcore_axis_name="s")


NBUF = 2


def _make_sc_agg(with_counts):
    out_type = [jax.ShapeDtypeStruct((NC, NP, D), jnp.float32)]
    scratch = [
        pltpu.VMEM((EPWP,), jnp.int32),
        pltpu.VMEM((CH,), jnp.int32),
        pltpu.VMEM((CH,), jnp.int32),
        pltpu.VMEM((CH, D), jnp.float32),
        pltpu.VMEM((CH, D), jnp.float32),
        pltpu.VMEM_SHARED((NP, D), jnp.float32),
        pltpu.SemaphoreType.DMA,
        pltpu.SemaphoreType.DMA,
        pltpu.SemaphoreType.DMA,
        pltpu.SemaphoreType.DMA,
    ]
    if with_counts:
        out_type.append(jax.ShapeDtypeStruct((NC, NP), jnp.float32))
        scratch += [
            pltpu.VMEM((CH,), jnp.float32),
            pltpu.VMEM_SHARED((NP,), jnp.float32),
        ]

    def agg(*args):
        it = iter(args)
        h_hbm, src_hbm, dst_hbm, z_hbm = (next(it) for _ in range(4))
        z1_hbm = next(it) if with_counts else None
        out_hbm = next(it)
        cnt_hbm = next(it) if with_counts else None
        sidx, dA, dB, rowsA, rowsB, acc = (next(it) for _ in range(6))
        gsA, gsB, dsA, dsB = (next(it) for _ in range(4))
        if with_counts:
            ones_v, acc1 = next(it), next(it)

        c = lax.axis_index("c")
        s = lax.axis_index("s")
        base = (s * NC + c) * EPWP
        r0 = s * RPT

        pltpu.sync_copy(src_hbm.at[pl.ds(base, EPWP)], sidx)
        pltpu.sync_copy(z_hbm.at[pl.ds(r0, RPT)], acc.at[pl.ds(r0, RPT)])
        if with_counts:
            for k in range(CH // 16):
                ones_v[pl.ds(16 * k, 16)] = jnp.full((16,), 1.0, jnp.float32)
            pltpu.sync_copy(z1_hbm.at[pl.ds(r0, RPT)], acc1.at[pl.ds(r0, RPT)])
        plsc.subcore_barrier()

        def fire(ci, dbuf, rbuf, dsem, gsem):
            pltpu.async_copy(dst_hbm.at[pl.ds(base + ci * CH, CH)], dbuf, dsem)
            pltpu.async_copy(h_hbm.at[sidx.at[pl.ds(ci * CH, CH)]], rbuf, gsem)

        def drain_scatter(dbuf, rbuf, dsem, gsem):
            pltpu.make_async_copy(dst_hbm.at[pl.ds(0, CH)], dbuf, dsem).wait()
            pltpu.make_async_copy(h_hbm.at[pl.ds(0, CH)], rbuf, gsem).wait()
            pltpu.sync_copy(rbuf, acc.at[dbuf], add=True)
            if with_counts:
                pltpu.sync_copy(ones_v, acc1.at[dbuf], add=True)

        fire(0, dA, rowsA, dsA, gsA)

        def body(j, carry):
            c0 = 2 * j
            fire(c0 + 1, dB, rowsB, dsB, gsB)
            drain_scatter(dA, rowsA, dsA, gsA)

            @pl.when(j < NCH // 2 - 1)
            def _():
                fire(c0 + 2, dA, rowsA, dsA, gsA)

            drain_scatter(dB, rowsB, dsB, gsB)
            return carry

        lax.fori_loop(0, NCH // 2, body, 0)

        plsc.subcore_barrier()
        pltpu.sync_copy(acc.at[pl.ds(r0, RPT)], out_hbm.at[c, pl.ds(r0, RPT)])
        if with_counts:
            pltpu.sync_copy(acc1.at[pl.ds(r0, RPT)],
                            cnt_hbm.at[c, pl.ds(r0, RPT)])

    return pl.kernel(agg, mesh=_MESH, out_type=out_type,
                     scratch_types=scratch)


_AGG1 = _make_sc_agg(with_counts=True)
_AGGN = _make_sc_agg(with_counts=False)


BN = 1000


def _tc1_body(p0_ref, p1_ref, c0_ref, c1_ref, x_ref, wl_ref, b_ref, wr_ref,
              h_ref, rc_ref):
    cnt = c0_ref[...] + c1_ref[...]
    rc = 1.0 / jnp.maximum(cnt, 1.0)
    mean = (p0_ref[0] + p1_ref[0]) * rc
    acc = jnp.dot(mean, wl_ref[...], preferred_element_type=jnp.float32)
    acc = acc + jnp.dot(x_ref[...], wr_ref[...], preferred_element_type=jnp.float32)
    acc = acc + b_ref[...]
    h_ref[...] = jnp.maximum(acc, 0.0)
    rc_ref[...] = rc


def _tc_layer1(p, c0, c1, x, Wl, b, Wr):
    return pl.pallas_call(
        _tc1_body,
        grid=(N // BN,),
        in_specs=[
            pl.BlockSpec((1, BN, D), lambda i: (0, i, 0)),
            pl.BlockSpec((1, BN, D), lambda i: (1, i, 0)),
            pl.BlockSpec((BN, 1), lambda i: (i, 0)),
            pl.BlockSpec((BN, 1), lambda i: (i, 0)),
            pl.BlockSpec((BN, D), lambda i: (i, 0)),
            pl.BlockSpec((D, D), lambda i: (0, 0)),
            pl.BlockSpec((1, D), lambda i: (0, 0)),
            pl.BlockSpec((D, D), lambda i: (0, 0)),
        ],
        out_specs=[
            pl.BlockSpec((BN, D), lambda i: (i, 0)),
            pl.BlockSpec((BN, 1), lambda i: (i, 0)),
        ],
        out_shape=[
            jax.ShapeDtypeStruct((N, D), jnp.float32),
            jax.ShapeDtypeStruct((N, 1), jnp.float32),
        ],
    )(p, p, c0, c1, x, Wl, b, Wr)


def _make_tc23_body(relu):
    def body(p0_ref, p1_ref, x_ref, rc_ref, wl_ref, b_ref, wr_ref, h_ref):
        mean = (p0_ref[0] + p1_ref[0]) * rc_ref[...]
        acc = jnp.dot(mean, wl_ref[...], preferred_element_type=jnp.float32)
        acc = acc + jnp.dot(x_ref[...], wr_ref[...], preferred_element_type=jnp.float32)
        acc = acc + b_ref[...]
        h_ref[...] = jnp.maximum(acc, 0.0) if relu else acc
    return body


def _tc_layer23(p, x, rc, Wl, b, Wr, relu):
    return pl.pallas_call(
        _make_tc23_body(relu),
        grid=(N // BN,),
        in_specs=[
            pl.BlockSpec((1, BN, D), lambda i: (0, i, 0)),
            pl.BlockSpec((1, BN, D), lambda i: (1, i, 0)),
            pl.BlockSpec((BN, D), lambda i: (i, 0)),
            pl.BlockSpec((BN, 1), lambda i: (i, 0)),
            pl.BlockSpec((D, D), lambda i: (0, 0)),
            pl.BlockSpec((1, D), lambda i: (0, 0)),
            pl.BlockSpec((D, D), lambda i: (0, 0)),
        ],
        out_specs=pl.BlockSpec((BN, D), lambda i: (i, 0)),
        out_shape=jax.ShapeDtypeStruct((N, D), jnp.float32),
    )(p, p, x, rc, Wl, b, Wr)


def _pad_edges(src, dst):
    srcw = src.reshape(NW, EPW)
    dstw = dst.reshape(NW, EPW)
    pad_ids = jnp.arange(NW * PAD, dtype=jnp.int32).reshape(NW, PAD)
    src_pad = pad_ids % N
    dst_pad = N + pad_ids % (NP - N)
    src_p = jnp.concatenate([srcw, src_pad], axis=1).reshape(-1)
    dst_p = jnp.concatenate([dstw, dst_pad], axis=1).reshape(-1)
    return src_p, dst_p


def kernel(x, edge_index, W1l, b1, W1r, W2l, b2, W2r, W3l, b3, W3r):
    src = edge_index[0].astype(jnp.int32)
    dst = edge_index[1].astype(jnp.int32)
    src_p, dst_p = _pad_edges(src, dst)

    z = jnp.zeros((NP, D), jnp.float32)
    z1 = jnp.zeros((NP,), jnp.float32)

    p, cp = _AGG1(x, src_p, dst_p, z, z1)
    h1, rc = _tc_layer1(p, cp[0, :N].reshape(N, 1), cp[1, :N].reshape(N, 1),
                        x, W1l, b1.reshape(1, D), W1r)

    p, = _AGGN(h1, src_p, dst_p, z)
    h2 = _tc_layer23(p, h1, rc, W2l, b2.reshape(1, D), W2r, relu=True)

    p, = _AGGN(h2, src_p, dst_p, z)
    h3 = _tc_layer23(p, h2, rc, W3l, b3.reshape(1, D), W3r, relu=False)
    return h3

# --- scband reference (transcript-rebuilt; emitter-appended) ---
"""Pipeline reference for scband-sage-38474317038200 (READ-ONLY COPY).

The authoritative reference and input builder live on the scoring server;
editing this copy changes nothing except your own understanding.
"""

import jax, jax.numpy as jnp
import numpy as np

N_NODES = 10000
N_EDGES = 320000
D = 128


def _param(key, shape, scale=0.05):
    return jax.random.normal(key, shape, dtype=jnp.float32) * scale


def setup_inputs(seed: int = 0) -> dict:
    key = jax.random.key(seed)
    ks = jax.random.split(key, 12)
    x = jax.random.normal(ks[0], (N_NODES, D), dtype=jnp.float32)
    edge_index = jax.random.randint(ks[1], (2, N_EDGES), 0, N_NODES, dtype=jnp.int64)
    inp = {"x": x, "edge_index": edge_index}
    # 3 SAGEConv layers: lin_l (with bias) applied to aggregated neighbors, lin_r (no bias) on root.
    for i, base in zip(range(1, 4), range(2, 11, 3)):
        inp[f"W{i}l"] = _param(ks[base], (D, D))
        inp[f"b{i}"] = jnp.zeros((D,), dtype=jnp.float32)
        inp[f"W{i}r"] = _param(ks[base + 1], (D, D))
    return inp


def _sage_conv(x, edge_index, Wl, bl, Wr):
    src = edge_index[0]
    dst = edge_index[1]
    n = x.shape[0]
    msg = x[src]  # gather source node features per edge
    summed = jax.ops.segment_sum(msg, dst, num_segments=n)
    cnt = jax.ops.segment_sum(jnp.ones((msg.shape[0], 1), dtype=x.dtype), dst, num_segments=n)
    mean = summed / jnp.maximum(cnt, 1.0)
    return mean @ Wl + bl + x @ Wr


def reference(x, edge_index, W1l, b1, W1r, W2l, b2, W2r, W3l, b3, W3r):
    h = _sage_conv(x, edge_index, W1l, b1, W1r)
    h = jax.nn.relu(h)  # dropout inactive (eval mode / deterministic)
    h = _sage_conv(h, edge_index, W2l, b2, W2r)
    h = jax.nn.relu(h)
    h = _sage_conv(h, edge_index, W3l, b3, W3r)
    return h

if __name__ == "__main__":
    import jax
    _d = setup_inputs()
    print(jax.jit(kernel)(*tuple(_d.values())))

</pallas_src>

<mosaic_0001>
#map = affine_map<(d0, d1) -> (0, 0)>
#map1 = affine_map<(d0, d1) -> (0)>
#map2 = affine_map<(d0, d1) -> (0, 0, 0)>
module attributes {stable_mosaic.version = 14 : i64} {
  func.func @agg(%arg0: i32, %arg1: i32, %arg2: memref<10000x128xf32, #tpu.memory_space<hbm>>, %arg3: memref<327680xi32, #tpu.memory_space<hbm>>, %arg4: memref<327680xi32, #tpu.memory_space<hbm>>, %arg5: memref<10240x128xf32, #tpu.memory_space<hbm>>, %arg6: memref<10240xf32, #tpu.memory_space<hbm>>, %arg7: memref<2x10240x128xf32, #tpu.memory_space<hbm>>, %arg8: memref<2x10240xf32, #tpu.memory_space<hbm>>, %arg9: memref<10240xi32, #tpu.memory_space<vmem>>, %arg10: memref<128xi32, #tpu.memory_space<vmem>>, %arg11: memref<128xi32, #tpu.memory_space<vmem>>, %arg12: memref<128x128xf32, #tpu.memory_space<vmem>>, %arg13: memref<128x128xf32, #tpu.memory_space<vmem>>, %arg14: memref<10240x128xf32, #tpu.memory_space<vmem_shared>>, %arg15: memref<!tpu.dma_semaphore, #tpu.memory_space<semaphore_mem>>, %arg16: memref<!tpu.dma_semaphore, #tpu.memory_space<semaphore_mem>>, %arg17: memref<!tpu.dma_semaphore, #tpu.memory_space<semaphore_mem>>, %arg18: memref<!tpu.dma_semaphore, #tpu.memory_space<semaphore_mem>>, %arg19: memref<128xf32, #tpu.memory_space<vmem>>, %arg20: memref<10240xf32, #tpu.memory_space<vmem_shared>>) attributes {dimension_semantics = [#tpu.dimension_semantics<core_parallel>, #tpu.dimension_semantics<subcore_parallel>], iteration_bounds = array<i64: 2, 16>, scalar_prefetch = 0 : i64, scratch_operands = 12 : i64, tpu.core_type = #tpu.core_type<sc_vector_subcore>, window_params = [{transform_indices = #map}, {transform_indices = #map1}, {transform_indices = #map1}, {transform_indices = #map}, {transform_indices = #map1}, {transform_indices = #map2}, {transform_indices = #map}]} {
    %mul3A = arith.constant 2 : i32
    %mul3A_0 = arith.muli %arg1, %mul3A : i32
    %add3A = arith.addi %mul3A_0, %arg0 : i32
    %mul3A_1 = arith.constant 10240 : i32
    %mul3A_2 = arith.muli %add3A, %mul3A_1 : i32
    %mul3A_3 = arith.constant 640 : i32
    %mul3A_4 = arith.muli %arg1, %mul3A_3 : i32
    "tpu.region"() ({
      %run_scoped3A = tpu.sem_alloc : memref<!tpu.dma_semaphore, #tpu.memory_space<semaphore_mem>>
      %dma_start3A_65 = tpu.memref_slice %arg3[%mul3A_2] : memref<327680xi32, #tpu.memory_space<hbm>> -> memref<10240xi32, #tpu.memory_space<hbm>>
      %dma_start3A_66 = tpu.memref_slice %arg3[%mul3A_2] : memref<327680xi32, #tpu.memory_space<hbm>> -> memref<10240xi32, #tpu.memory_space<hbm>>
      tpu.enqueue_dma source(%dma_start3A_66 : memref<10240xi32, #tpu.memory_space<hbm>>) target(%arg9 : memref<10240xi32, #tpu.memory_space<vmem>>) target_semaphore(%run_scoped3A : memref<!tpu.dma_semaphore, #tpu.memory_space<semaphore_mem>>)
      %dma_wait3A = tpu.memref_slice %arg3[%mul3A_2] : memref<327680xi32, #tpu.memory_space<hbm>> -> memref<10240xi32, #tpu.memory_space<hbm>>
      %dma_wait3A_67 = tpu.memref_slice %arg3[%mul3A_2] : memref<327680xi32, #tpu.memory_space<hbm>> -> memref<10240xi32, #tpu.memory_space<hbm>>
      tpu.wait_dma2 semaphore(%run_scoped3A : memref<!tpu.dma_semaphore, #tpu.memory_space<semaphore_mem>>) src(%dma_wait3A_67 : memref<10240xi32, #tpu.memory_space<hbm>>) dst(%arg9 : memref<10240xi32, #tpu.memory_space<vmem>>)
      tpu.yield
    }) : () -> ()
    "tpu.region"() ({
      %run_scoped3A = tpu.sem_alloc : memref<!tpu.dma_semaphore, #tpu.memory_space<semaphore_mem>>
      %dma_start3A_65 = arith.constant 0 : i32
      %dma_start3A_66 = tpu.memref_slice %arg14[%mul3A_4, %dma_start3A_65] : memref<10240x128xf32, #tpu.memory_space<vmem_shared>> -> memref<640x128xf32, #tpu.memory_space<vmem_shared>>
      %dma_start3A_67 = arith.constant 0 : i32
      %dma_start3A_68 = tpu.memref_slice %arg5[%mul3A_4, %dma_start3A_67] : memref<10240x128xf32, #tpu.memory_space<hbm>> -> memref<640x128xf32, #tpu.memory_space<hbm>>
      tpu.enqueue_dma source(%dma_start3A_68 : memref<640x128xf32, #tpu.memory_space<hbm>>) target(%dma_start3A_66 : memref<640x128xf32, #tpu.memory_space<vmem_shared>>) target_semaphore(%run_scoped3A : memref<!tpu.dma_semaphore, #tpu.memory_space<semaphore_mem>>)
      %dma_wait3A = arith.constant 0 : i32
      %dma_wait3A_69 = tpu.memref_slice %arg14[%mul3A_4, %dma_wait3A] : memref<10240x128xf32, #tpu.memory_space<vmem_shared>> -> memref<640x128xf32, #tpu.memory_space<vmem_shared>>
      %dma_wait3A_70 = arith.constant 0 : i32
      %dma_wait3A_71 = tpu.memref_slice %arg5[%mul3A_4, %dma_wait3A_70] : memref<10240x128xf32, #tpu.memory_space<hbm>> -> memref<640x128xf32, #tpu.memory_space<hbm>>
      tpu.wait_dma2 semaphore(%run_scoped3A : memref<!tpu.dma_semaphore, #tpu.memory_space<semaphore_mem>>) src(%dma_wait3A_71 : memref<640x128xf32, #tpu.memory_space<hbm>>) dst(%dma_wait3A_69 : memref<640x128xf32, #tpu.memory_space<vmem_shared>>)
      tpu.yield
    }) : () -> ()
    %broadcast_in_dim3A = arith.constant 1.000000e+00 : f32
    %broadcast_in_dim3A_5 = vector.broadcast %broadcast_in_dim3A : f32 to vector<16xf32>
    %swap3A = arith.constant 0 : index
    %swap3A_6 = tpu.vector_load %arg19[%swap3A] {strides = array<i32>} : memref<128xf32, #tpu.memory_space<vmem>>, vector<16xf32>,
    %swap3A_7 = vector.shape_cast %swap3A_6 : vector<16xf32> to vector<16xf32>
    %swap3A_8 = vector.shape_cast %broadcast_in_dim3A_5 : vector<16xf32> to vector<16xf32>
    tpu.vector_store %arg19[%swap3A], %swap3A_8 {strides = array<i32>} : memref<128xf32, #tpu.memory_space<vmem>>, vector<16xf32>,
    %broadcast_in_dim3A_9 = arith.constant 1.000000e+00 : f32
    %broadcast_in_dim3A_10 = vector.broadcast %broadcast_in_dim3A_9 : f32 to vector<16xf32>
    %swap3A_11 = arith.constant 16 : index
    %swap3A_12 = tpu.vector_load %arg19[%swap3A_11] {strides = array<i32>} : memref<128xf32, #tpu.memory_space<vmem>>, vector<16xf32>,
    %swap3A_13 = vector.shape_cast %swap3A_12 : vector<16xf32> to vector<16xf32>
    %swap3A_14 = vector.shape_cast %broadcast_in_dim3A_10 : vector<16xf32> to vector<16xf32>
    tpu.vector_store %arg19[%swap3A_11], %swap3A_14 {strides = array<i32>} : memref<128xf32, #tpu.memory_space<vmem>>, vector<16xf32>,
    %broadcast_in_dim3A_15 = arith.constant 1.000000e+00 : f32
    %broadcast_in_dim3A_16 = vector.broadcast %broadcast_in_dim3A_15 : f32 to vector<16xf32>
    %swap3A_17 = arith.constant 32 : index
    %swap3A_18 = tpu.vector_load %arg19[%swap3A_17] {strides = array<i32>} : memref<128xf32, #tpu.memory_space<vmem>>, vector<16xf32>,
    %swap3A_19 = vector.shape_cast %swap3A_18 : vector<16xf32> to vector<16xf32>
    %swap3A_20 = vector.shape_cast %broadcast_in_dim3A_16 : vector<16xf32> to vector<16xf32>
    tpu.vector_store %arg19[%swap3A_17], %swap3A_20 {strides = array<i32>} : memref<128xf32, #tpu.memory_space<vmem>>, vector<16xf32>,
    %broadcast_in_dim3A_21 = arith.constant 1.000000e+00 : f32
    %broadcast_in_dim3A_22 = vector.broadcast %broadcast_in_dim3A_21 : f32 to vector<16xf32>
    %swap3A_23 = arith.constant 48 : index
    %swap3A_24 = tpu.vector_load %arg19[%swap3A_23] {strides = array<i32>} : memref<128xf32, #tpu.memory_space<vmem>>, vector<16xf32>,
    %swap3A_25 = vector.shape_cast %swap3A_24 : vector<16xf32> to vector<16xf32>
    %swap3A_26 = vector.shape_cast %broadcast_in_dim3A_22 : vector<16xf32> to vector<16xf32>
    tpu.vector_store %arg19[%swap3A_23], %swap3A_26 {strides = array<i32>} : memref<128xf32, #tpu.memory_space<vmem>>, vector<16xf32>,
    %broadcast_in_dim3A_27 = arith.constant 1.000000e+00 : f32
    %broadcast_in_dim3A_28 = vector.broadcast %broadcast_in_dim3A_27 : f32 to vector<16xf32>
    %swap3A_29 = arith.constant 64 : index
    %swap3A_30 = tpu.vector_load %arg19[%swap3A_29] {strides = array<i32>} : memref<128xf32, #tpu.memory_space<vmem>>, vector<16xf32>,
    %swap3A_31 = vector.shape_cast %swap3A_30 : vector<16xf32> to vector<16xf32>
    %swap3A_32 = vector.shape_cast %broadcast_in_dim3A_28 : vector<16xf32> to vector<16xf32>
    tpu.vector_store %arg19[%swap3A_29], %swap3A_32 {strides = array<i32>} : memref<128xf32, #tpu.memory_space<vmem>>, vector<16xf32>,
    %broadcast_in_dim3A_33 = arith.constant 1.000000e+00 : f32
    %broadcast_in_dim3A_34 = vector.broadcast %broadcast_in_dim3A_33 : f32 to vector<16xf32>
    %swap3A_35 = arith.constant 80 : index
    %swap3A_36 = tpu.vector_load %arg19[%swap3A_35] {strides = array<i32>} : memref<128xf32, #tpu.memory_space<vmem>>, vector<16xf32>,
    %swap3A_37 = vector.shape_cast %swap3A_36 : vector<16xf32> to vector<16xf32>
    %swap3A_38 = vector.shape_cast %broadcast_in_dim3A_34 : vector<16xf32> to vector<16xf32>
    tpu.vector_store %arg19[%swap3A_35], %swap3A_38 {strides = array<i32>} : memref<128xf32, #tpu.memory_space<vmem>>, vector<16xf32>,
    %broadcast_in_dim3A_39 = arith.constant 1.000000e+00 : f32
    %broadcast_in_dim3A_40 = vector.broadcast %broadcast_in_dim3A_39 : f32 to vector<16xf32>
    %swap3A_41 = arith.constant 96 : index
    %swap3A_42 = tpu.vector_load %arg19[%swap3A_41] {strides = array<i32>} : memref<128xf32, #tpu.memory_space<vmem>>, vector<16xf32>,
    %swap3A_43 = vector.shape_cast %swap3A_42 : vector<16xf32> to vector<16xf32>
    %swap3A_44 = vector.shape_cast %broadcast_in_dim3A_40 : vector<16xf32> to vector<16xf32>
    tpu.vector_store %arg19[%swap3A_41], %swap3A_44 {strides = array<i32>} : memref<128xf32, #tpu.memory_space<vmem>>, vector<16xf32>,
    %broadcast_in_dim3A_45 = arith.constant 1.000000e+00 : f32
    %broadcast_in_dim3A_46 = vector.broadcast %broadcast_in_dim3A_45 : f32 to vector<16xf32>
    %swap3A_47 = arith.constant 112 : index
    %swap3A_48 = tpu.vector_load %arg19[%swap3A_47] {strides = array<i32>} : memref<128xf32, #tpu.memory_space<vmem>>, vector<16xf32>,
    %swap3A_49 = vector.shape_cast %swap3A_48 : vector<16xf32> to vector<16xf32>
    %swap3A_50 = vector.shape_cast %broadcast_in_dim3A_46 : vector<16xf32> to vector<16xf32>
    tpu.vector_store %arg19[%swap3A_47], %swap3A_50 {strides = array<i32>} : memref<128xf32, #tpu.memory_space<vmem>>, vector<16xf32>,
    "tpu.region"() ({
      %run_scoped3A = tpu.sem_alloc : memref<!tpu.dma_semaphore, #tpu.memory_space<semaphore_mem>>
      %dma_start3A_65 = tpu.memref_slice %arg20[%mul3A_4] : memref<10240xf32, #tpu.memory_space<vmem_shared>> -> memref<640xf32, #tpu.memory_space<vmem_shared>>
      %dma_start3A_66 = tpu.memref_slice %arg6[%mul3A_4] : memref<10240xf32, #tpu.memory_space<hbm>> -> memref<640xf32, #tpu.memory_space<hbm>>
      tpu.enqueue_dma source(%dma_start3A_66 : memref<640xf32, #tpu.memory_space<hbm>>) target(%dma_start3A_65 : memref<640xf32, #tpu.memory_space<vmem_shared>>) target_semaphore(%run_scoped3A : memref<!tpu.dma_semaphore, #tpu.memory_space<semaphore_mem>>)
      %dma_wait3A = tpu.memref_slice %arg20[%mul3A_4] : memref<10240xf32, #tpu.memory_space<vmem_shared>> -> memref<640xf32, #tpu.memory_space<vmem_shared>>
      %dma_wait3A_67 = tpu.memref_slice %arg6[%mul3A_4] : memref<10240xf32, #tpu.memory_space<hbm>> -> memref<640xf32, #tpu.memory_space<hbm>>
      tpu.wait_dma2 semaphore(%run_scoped3A : memref<!tpu.dma_semaphore, #tpu.memory_space<semaphore_mem>>) src(%dma_wait3A_67 : memref<640xf32, #tpu.memory_space<hbm>>) dst(%dma_wait3A : memref<640xf32, #tpu.memory_space<vmem_shared>>)
      tpu.yield
    }) : () -> ()
    %barrier3A = arith.constant 0 : index
    tpu.barrier barrier_id(%barrier3A)
    %add3A_51 = arith.constant 0 : i32
    %add3A_52 = arith.addi %mul3A_2, %add3A_51 : i32
    %dma_start3A = tpu.memref_slice %arg4[%add3A_52] : memref<327680xi32, #tpu.memory_space<hbm>> -> memref<128xi32, #tpu.memory_space<hbm>>
    %dma_start3A_53 = tpu.memref_slice %arg4[%add3A_52] : memref<327680xi32, #tpu.memory_space<hbm>> -> memref<128xi32, #tpu.memory_space<hbm>>
    tpu.enqueue_dma source(%dma_start3A_53 : memref<128xi32, #tpu.memory_space<hbm>>) target(%arg10 : memref<128xi32, #tpu.memory_space<vmem>>) target_semaphore(%arg17 : memref<!tpu.dma_semaphore, #tpu.memory_space<semaphore_mem>>)
    %dma_start3A_54 = arith.constant 0 : i32
    %dma_start3A_55 = tpu.memref_slice %arg9[%dma_start3A_54] : memref<10240xi32, #tpu.memory_space<vmem>> -> memref<128xi32, #tpu.memory_space<vmem>>
    %dma_start3A_56 = arith.constant 0 : i32
    %dma_start3A_57 = arith.constant 0 : i32
    %dma_start3A_58 = tpu.memref_slice %arg2[%dma_start3A_56, %dma_start3A_57] : memref<10000x128xf32, #tpu.memory_space<hbm>> -> memref<10000x128xf32, #tpu.memory_space<hbm>>
    tpu.enqueue_indirect_dma source(%dma_start3A_58 : memref<10000x128xf32, #tpu.memory_space<hbm>>) target(%arg12 : memref<128x128xf32, #tpu.memory_space<vmem>>) offsets(%dma_start3A_55 : memref<128xi32, #tpu.memory_space<vmem>>) semaphore(%arg15 : memref<!tpu.dma_semaphore, #tpu.memory_space<semaphore_mem>>)
    %scan3A = arith.constant 0 : i32
    %scan3A_59 = arith.constant 0 : i32
    %scan3A_60 = arith.constant 40 : i32
    %scan3A_61 = arith.addi %scan3A_59, %scan3A_60 : i32
    %scan3A_62 = arith.constant 1 : i32
    scf.for %scan3A_65 = %scan3A_59 to %scan3A_61 step %scan3A_62  : i32 {
      %mul3A_66 = arith.constant 2 : i32
      %mul3A_67 = arith.muli %mul3A_66, %scan3A_65 : i32
      %add3A_68 = arith.constant 1 : i32
      %add3A_69 = arith.addi %mul3A_67, %add3A_68 : i32
      %mul3A_70 = arith.constant 128 : i32
      %mul3A_71 = arith.muli %add3A_69, %mul3A_70 : i32
      %add3A_72 = arith.addi %mul3A_2, %mul3A_71 : i32
      %dma_start3A_73 = tpu.memref_slice %arg4[%add3A_72] : memref<327680xi32, #tpu.memory_space<hbm>> -> memref<128xi32, #tpu.memory_space<hbm>>
      %dma_start3A_74 = tpu.memref_slice %arg4[%add3A_72] : memref<327680xi32, #tpu.memory_space<hbm>> -> memref<128xi32, #tpu.memory_space<hbm>>
      tpu.enqueue_dma source(%dma_start3A_74 : memref<128xi32, #tpu.memory_space<hbm>>) target(%arg11 : memref<128xi32, #tpu.memory_space<vmem>>) target_semaphore(%arg18 : memref<!tpu.dma_semaphore, #tpu.memory_space<semaphore_mem>>)
      %mul3A_75 = arith.constant 128 : i32
      %mul3A_76 = arith.muli %add3A_69, %mul3A_75 : i32
      %dma_start3A_77 = tpu.memref_slice %arg9[%mul3A_76] : memref<10240xi32, #tpu.memory_space<vmem>> -> memref<128xi32, #tpu.memory_space<vmem>>
      %dma_start3A_78 = arith.constant 0 : i32
      %dma_start3A_79 = arith.constant 0 : i32
      %dma_start3A_80 = tpu.memref_slice %arg2[%dma_start3A_78, %dma_start3A_79] : memref<10000x128xf32, #tpu.memory_space<hbm>> -> memref<10000x128xf32, #tpu.memory_space<hbm>>
      tpu.enqueue_indirect_dma source(%dma_start3A_80 : memref<10000x128xf32, #tpu.memory_space<hbm>>) target(%arg13 : memref<128x128xf32, #tpu.memory_space<vmem>>) offsets(%dma_start3A_77 : memref<128xi32, #tpu.memory_space<vmem>>) semaphore(%arg16 : memref<!tpu.dma_semaphore, #tpu.memory_space<semaphore_mem>>)
      %dma_wait3A = arith.constant 0 : i32
      %dma_wait3A_81 = tpu.memref_slice %arg4[%dma_wait3A] : memref<327680xi32, #tpu.memory_space<hbm>> -> memref<128xi32, #tpu.memory_space<hbm>>
      %dma_wait3A_82 = arith.constant 0 : i32
      %dma_wait3A_83 = tpu.memref_slice %arg4[%dma_wait3A_82] : memref<327680xi32, #tpu.memory_space<hbm>> -> memref<128xi32, #tpu.memory_space<hbm>>
      tpu.wait_dma2 semaphore(%arg17 : memref<!tpu.dma_semaphore, #tpu.memory_space<semaphore_mem>>) src(%dma_wait3A_83 : memref<128xi32, #tpu.memory_space<hbm>>) dst(%arg10 : memref<128xi32, #tpu.memory_space<vmem>>)
      %dma_wait3A_84 = arith.constant 0 : i32
      %dma_wait3A_85 = arith.constant 0 : i32
      %dma_wait3A_86 = tpu.memref_slice %arg2[%dma_wait3A_84, %dma_wait3A_85] : memref<10000x128xf32, #tpu.memory_space<hbm>> -> memref<128x128xf32, #tpu.memory_space<hbm>>
      %dma_wait3A_87 = arith.constant 0 : i32
      %dma_wait3A_88 = arith.constant 0 : i32
      %dma_wait3A_89 = tpu.memref_slice %arg2[%dma_wait3A_87, %dma_wait3A_88] : memref<10000x128xf32, #tpu.memory_space<hbm>> -> memref<128x128xf32, #tpu.memory_space<hbm>>
      tpu.wait_dma2 semaphore(%arg15 : memref<!tpu.dma_semaphore, #tpu.memory_space<semaphore_mem>>) src(%dma_wait3A_89 : memref<128x128xf32, #tpu.memory_space<hbm>>) dst(%arg12 : memref<128x128xf32, #tpu.memory_space<vmem>>)
      "tpu.region"() ({
        %run_scoped3A = tpu.sem_alloc : memref<!tpu.dma_semaphore, #tpu.memory_space<semaphore_mem>>
        %dma_start3A_102 = arith.constant 0 : i32
        %dma_start3A_103 = arith.constant 0 : i32
        %dma_start3A_104 = tpu.memref_slice %arg14[%dma_start3A_102, %dma_start3A_103] : memref<10240x128xf32, #tpu.memory_space<vmem_shared>> -> memref<10240x128xf32, #tpu.memory_space<vmem_shared>>
        tpu.enqueue_indirect_dma source(%arg12 : memref<128x128xf32, #tpu.memory_space<vmem>>) target(%dma_start3A_104 : memref<10240x128xf32, #tpu.memory_space<vmem_shared>>) offsets(%arg10 : memref<128xi32, #tpu.memory_space<vmem>>) semaphore(%run_scoped3A : memref<!tpu.dma_semaphore, #tpu.memory_space<semaphore_mem>>) {add = true}
        %dma_wait3A_105 = arith.constant 0 : i32
        %dma_wait3A_106 = arith.constant 0 : i32
        %dma_wait3A_107 = tpu.memref_slice %arg14[%dma_wait3A_105, %dma_wait3A_106] : memref<10240x128xf32, #tpu.memory_space<vmem_shared>> -> memref<10240x128xf32, #tpu.memory_space<vmem_shared>>
        tpu.wait_indirect_dma semaphore(%run_scoped3A : memref<!tpu.dma_semaphore, #tpu.memory_space<semaphore_mem>>) src(%arg12 : memref<128x128xf32, #tpu.memory_space<vmem>>) dst(%dma_wait3A_107 : memref<10240x128xf32, #tpu.memory_space<vmem_shared>>)
        tpu.yield
      }) : () -> ()
      "tpu.region"() ({
        %run_scoped3A = tpu.sem_alloc : memref<!tpu.dma_semaphore, #tpu.memory_space<semaphore_mem>>
        %dma_start3A_102 = arith.constant 0 : i32
        %dma_start3A_103 = tpu.memref_slice %arg20[%dma_start3A_102] : memref<10240xf32, #tpu.memory_space<vmem_shared>> -> memref<10240xf32, #tpu.memory_space<vmem_shared>>
        tpu.enqueue_indirect_dma source(%arg19 : memref<128xf32, #tpu.memory_space<vmem>>) target(%dma_start3A_103 : memref<10240xf32, #tpu.memory_space<vmem_shared>>) offsets(%arg10 : memref<128xi32, #tpu.memory_space<vmem>>) semaphore(%run_scoped3A : memref<!tpu.dma_semaphore, #tpu.memory_space<semaphore_mem>>) {add = true}
        %dma_wait3A_104 = arith.constant 0 : i32
        %dma_wait3A_105 = tpu.memref_slice %arg20[%dma_wait3A_104] : memref<10240xf32, #tpu.memory_space<vmem_shared>> -> memref<10240xf32, #tpu.memory_space<vmem_shared>>
        tpu.wait_indirect_dma semaphore(%run_scoped3A : memref<!tpu.dma_semaphore, #tpu.memory_space<semaphore_mem>>) src(%arg19 : memref<128xf32, #tpu.memory_space<vmem>>) dst(%dma_wait3A_105 : memref<10240xf32, #tpu.memory_space<vmem_shared>>)
        tpu.yield
      }) : () -> ()
      %lt3A = arith.constant 39 : i32
      %lt3A_90 = arith.cmpi slt, %scan3A_65, %lt3A : i32
      %convert_element_type3A = arith.extui %lt3A_90 : i1 to i32
      %cond3A = arith.constant 0 : i32
      %cond3A_91 = arith.cmpi ne, %convert_element_type3A, %cond3A : i32
      scf.if %cond3A_91 {
        %add3A_102 = arith.constant 2 : i32
        %add3A_103 = arith.addi %mul3A_67, %add3A_102 : i32
        %mul3A_104 = arith.constant 128 : i32
        %mul3A_105 = arith.muli %add3A_103, %mul3A_104 : i32
        %add3A_106 = arith.addi %mul3A_2, %mul3A_105 : i32
        %dma_start3A_107 = tpu.memref_slice %arg4[%add3A_106] : memref<327680xi32, #tpu.memory_space<hbm>> -> memref<128xi32, #tpu.memory_space<hbm>>
        %dma_start3A_108 = tpu.memref_slice %arg4[%add3A_106] : memref<327680xi32, #tpu.memory_space<hbm>> -> memref<128xi32, #tpu.memory_space<hbm>>
        tpu.enqueue_dma source(%dma_start3A_108 : memref<128xi32, #tpu.memory_space<hbm>>) target(%arg10 : memref<128xi32, #tpu.memory_space<vmem>>) target_semaphore(%arg17 : memref<!tpu.dma_semaphore, #tpu.memory_space<semaphore_mem>>)
        %mul3A_109 = arith.constant 128 : i32
        %mul3A_110 = arith.muli %add3A_103, %mul3A_109 : i32
        %dma_start3A_111 = tpu.memref_slice %arg9[%mul3A_110] : memref<10240xi32, #tpu.memory_space<vmem>> -> memref<128xi32, #tpu.memory_space<vmem>>
        %dma_start3A_112 = arith.constant 0 : i32
        %dma_start3A_113 = arith.constant 0 : i32
        %dma_start3A_114 = tpu.memref_slice %arg2[%dma_start3A_112, %dma_start3A_113] : memref<10000x128xf32, #tpu.memory_space<hbm>> -> memref<10000x128xf32, #tpu.memory_space<hbm>>
        tpu.enqueue_indirect_dma source(%dma_start3A_114 : memref<10000x128xf32, #tpu.memory_space<hbm>>) target(%arg12 : memref<128x128xf32, #tpu.memory_space<vmem>>) offsets(%dma_start3A_111 : memref<128xi32, #tpu.memory_space<vmem>>) semaphore(%arg15 : memref<!tpu.dma_semaphore, #tpu.memory_space<semaphore_mem>>)
      } else {
      }
      %dma_wait3A_92 = arith.constant 0 : i32
      %dma_wait3A_93 = tpu.memref_slice %arg4[%dma_wait3A_92] : memref<327680xi32, #tpu.memory_space<hbm>> -> memref<128xi32, #tpu.memory_space<hbm>>
      %dma_wait3A_94 = arith.constant 0 : i32
      %dma_wait3A_95 = tpu.memref_slice %arg4[%dma_wait3A_94] : memref<327680xi32, #tpu.memory_space<hbm>> -> memref<128xi32, #tpu.memory_space<hbm>>
      tpu.wait_dma2 semaphore(%arg18 : memref<!tpu.dma_semaphore, #tpu.memory_space<semaphore_mem>>) src(%dma_wait3A_95 : memref<128xi32, #tpu.memory_space<hbm>>) dst(%arg11 : memref<128xi32, #tpu.memory_space<vmem>>)
      %dma_wait3A_96 = arith.constant 0 : i32
      %dma_wait3A_97 = arith.constant 0 : i32
      %dma_wait3A_98 = tpu.memref_slice %arg2[%dma_wait3A_96, %dma_wait3A_97] : memref<10000x128xf32, #tpu.memory_space<hbm>> -> memref<128x128xf32, #tpu.memory_space<hbm>>
      %dma_wait3A_99 = arith.constant 0 : i32
      %dma_wait3A_100 = arith.constant 0 : i32
      %dma_wait3A_101 = tpu.memref_slice %arg2[%dma_wait3A_99, %dma_wait3A_100] : memref<10000x128xf32, #tpu.memory_space<hbm>> -> memref<128x128xf32, #tpu.memory_space<hbm>>
      tpu.wait_dma2 semaphore(%arg16 : memref<!tpu.dma_semaphore, #tpu.memory_space<semaphore_mem>>) src(%dma_wait3A_101 : memref<128x128xf32, #tpu.memory_space<hbm>>) dst(%arg13 : memref<128x128xf32, #tpu.memory_space<vmem>>)
      "tpu.region"() ({
        %run_scoped3A = tpu.sem_alloc : memref<!tpu.dma_semaphore, #tpu.memory_space<semaphore_mem>>
        %dma_start3A_102 = arith.constant 0 : i32
        %dma_start3A_103 = arith.constant 0 : i32
        %dma_start3A_104 = tpu.memref_slice %arg14[%dma_start3A_102, %dma_start3A_103] : memref<10240x128xf32, #tpu.memory_space<vmem_shared>> -> memref<10240x128xf32, #tpu.memory_space<vmem_shared>>
        tpu.enqueue_indirect_dma source(%arg13 : memref<128x128xf32, #tpu.memory_space<vmem>>) target(%dma_start3A_104 : memref<10240x128xf32, #tpu.memory_space<vmem_shared>>) offsets(%arg11 : memref<128xi32, #tpu.memory_space<vmem>>) semaphore(%run_scoped3A : memref<!tpu.dma_semaphore, #tpu.memory_space<semaphore_mem>>) {add = true}
        %dma_wait3A_105 = arith.constant 0 : i32
        %dma_wait3A_106 = arith.constant 0 : i32
        %dma_wait3A_107 = tpu.memref_slice %arg14[%dma_wait3A_105, %dma_wait3A_106] : memref<10240x128xf32, #tpu.memory_space<vmem_shared>> -> memref<10240x128xf32, #tpu.memory_space<vmem_shared>>
        tpu.wait_indirect_dma semaphore(%run_scoped3A : memref<!tpu.dma_semaphore, #tpu.memory_space<semaphore_mem>>) src(%arg13 : memref<128x128xf32, #tpu.memory_space<vmem>>) dst(%dma_wait3A_107 : memref<10240x128xf32, #tpu.memory_space<vmem_shared>>)
        tpu.yield
      }) : () -> ()
      "tpu.region"() ({
        %run_scoped3A = tpu.sem_alloc : memref<!tpu.dma_semaphore, #tpu.memory_space<semaphore_mem>>
        %dma_start3A_102 = arith.constant 0 : i32
        %dma_start3A_103 = tpu.memref_slice %arg20[%dma_start3A_102] : memref<10240xf32, #tpu.memory_space<vmem_shared>> -> memref<10240xf32, #tpu.memory_space<vmem_shared>>
        tpu.enqueue_indirect_dma source(%arg19 : memref<128xf32, #tpu.memory_space<vmem>>) target(%dma_start3A_103 : memref<10240xf32, #tpu.memory_space<vmem_shared>>) offsets(%arg11 : memref<128xi32, #tpu.memory_space<vmem>>) semaphore(%run_scoped3A : memref<!tpu.dma_semaphore, #tpu.memory_space<semaphore_mem>>) {add = true}
        %dma_wait3A_104 = arith.constant 0 : i32
        %dma_wait3A_105 = tpu.memref_slice %arg20[%dma_wait3A_104] : memref<10240xf32, #tpu.memory_space<vmem_shared>> -> memref<10240xf32, #tpu.memory_space<vmem_shared>>
        tpu.wait_indirect_dma semaphore(%run_scoped3A : memref<!tpu.dma_semaphore, #tpu.memory_space<semaphore_mem>>) src(%arg19 : memref<128xf32, #tpu.memory_space<vmem>>) dst(%dma_wait3A_105 : memref<10240xf32, #tpu.memory_space<vmem_shared>>)
        tpu.yield
      }) : () -> ()
    }
    %scan3A_63 = arith.constant 40 : i32
    %barrier3A_64 = arith.constant 0 : index
    tpu.barrier barrier_id(%barrier3A_64)
    "tpu.region"() ({
      %run_scoped3A = tpu.sem_alloc : memref<!tpu.dma_semaphore, #tpu.memory_space<semaphore_mem>>
      %dma_start3A_65 = arith.constant 0 : i32
      %dma_start3A_66 = tpu.memref_slice %arg7[%arg0, %mul3A_4, %dma_start3A_65] : memref<2x10240x128xf32, #tpu.memory_space<hbm>> -> memref<1x640x128xf32, #tpu.memory_space<hbm>>
      %dma_start3A_67 = tpu.memref_squeeze %dma_start3A_66 : memref<1x640x128xf32, #tpu.memory_space<hbm>> -> memref<640x128xf32, #tpu.memory_space<hbm>>
      %dma_start3A_68 = arith.constant 0 : i32
      %dma_start3A_69 = tpu.memref_slice %arg14[%mul3A_4, %dma_start3A_68] : memref<10240x128xf32, #tpu.memory_space<vmem_shared>> -> memref<640x128xf32, #tpu.memory_space<vmem_shared>>
      tpu.enqueue_dma source(%dma_start3A_69 : memref<640x128xf32, #tpu.memory_space<vmem_shared>>) target(%dma_start3A_67 : memref<640x128xf32, #tpu.memory_space<hbm>>) target_semaphore(%run_scoped3A : memref<!tpu.dma_semaphore, #tpu.memory_space<semaphore_mem>>)
      %dma_wait3A = arith.constant 0 : i32
      %dma_wait3A_70 = tpu.memref_slice %arg7[%arg0, %mul3A_4, %dma_wait3A] : memref<2x10240x128xf32, #tpu.memory_space<hbm>> -> memref<1x640x128xf32, #tpu.memory_space<hbm>>
      %dma_wait3A_71 = tpu.memref_squeeze %dma_wait3A_70 : memref<1x640x128xf32, #tpu.memory_space<hbm>> -> memref<640x128xf32, #tpu.memory_space<hbm>>
      %dma_wait3A_72 = arith.constant 0 : i32
      %dma_wait3A_73 = tpu.memref_slice %arg14[%mul3A_4, %dma_wait3A_72] : memref<10240x128xf32, #tpu.memory_space<vmem_shared>> -> memref<640x128xf32, #tpu.memory_space<vmem_shared>>
      tpu.wait_dma2 semaphore(%run_scoped3A : memref<!tpu.dma_semaphore, #tpu.memory_space<semaphore_mem>>) src(%dma_wait3A_73 : memref<640x128xf32, #tpu.memory_space<vmem_shared>>) dst(%dma_wait3A_71 : memref<640x128xf32, #tpu.memory_space<hbm>>)
      tpu.yield
    }) : () -> ()
    "tpu.region"() ({
      %run_scoped3A = tpu.sem_alloc : memref<!tpu.dma_semaphore, #tpu.memory_space<semaphore_mem>>
      %dma_start3A_65 = tpu.memref_slice %arg8[%arg0, %mul3A_4] : memref<2x10240xf32, #tpu.memory_space<hbm>> -> memref<1x640xf32, #tpu.memory_space<hbm>>
      %dma_start3A_66 = tpu.memref_squeeze %dma_start3A_65 : memref<1x640xf32, #tpu.memory_space<hbm>> -> memref<640xf32, #tpu.memory_space<hbm>>
      %dma_start3A_67 = tpu.memref_slice %arg20[%mul3A_4] : memref<10240xf32, #tpu.memory_space<vmem_shared>> -> memref<640xf32, #tpu.memory_space<vmem_shared>>
      tpu.enqueue_dma source(%dma_start3A_67 : memref<640xf32, #tpu.memory_space<vmem_shared>>) target(%dma_start3A_66 : memref<640xf32, #tpu.memory_space<hbm>>) target_semaphore(%run_scoped3A : memref<!tpu.dma_semaphore, #tpu.memory_space<semaphore_mem>>)
      %dma_wait3A = tpu.memref_slice %arg8[%arg0, %mul3A_4] : memref<2x10240xf32, #tpu.memory_space<hbm>> -> memref<1x640xf32, #tpu.memory_space<hbm>>
      %dma_wait3A_68 = tpu.memref_squeeze %dma_wait3A : memref<1x640xf32, #tpu.memory_space<hbm>> -> memref<640xf32, #tpu.memory_space<hbm>>
      %dma_wait3A_69 = tpu.memref_slice %arg20[%mul3A_4] : memref<10240xf32, #tpu.memory_space<vmem_shared>> -> memref<640xf32, #tpu.memory_space<vmem_shared>>
      tpu.wait_dma2 semaphore(%run_scoped3A : memref<!tpu.dma_semaphore, #tpu.memory_space<semaphore_mem>>) src(%dma_wait3A_69 : memref<640xf32, #tpu.memory_space<vmem_shared>>) dst(%dma_wait3A_68 : memref<640xf32, #tpu.memory_space<hbm>>)
      tpu.yield
    }) : () -> ()
    return
  }
}

#map = affine_map<(d0, d1) -> (0, 0)>
#map1 = affine_map<(d0, d1) -> (0)>
#map2 = affine_map<(d0, d1) -> (0, 0, 0)>
module attributes {stable_mosaic.version = 14 : i64} {
  func.func @agg(%arg0: i32, %arg1: i32, %arg2: memref<10000x128xf32, #tpu.memory_space<hbm>>, %arg3: memref<327680xi32, #tpu.memory_space<hbm>>, %arg4: memref<327680xi32, #tpu.memory_space<hbm>>, %arg5: memref<10240x128xf32, #tpu.memory_space<hbm>>, %arg6: memref<2x10240x128xf32, #tpu.memory_space<hbm>>, %arg7: memref<10240xi32, #tpu.memory_space<vmem>>, %arg8: memref<128xi32, #tpu.memory_space<vmem>>, %arg9: memref<128xi32, #tpu.memory_space<vmem>>, %arg10: memref<128x128xf32, #tpu.memory_space<vmem>>, %arg11: memref<128x128xf32, #tpu.memory_space<vmem>>, %arg12: memref<10240x128xf32, #tpu.memory_space<vmem_shared>>, %arg13: memref<!tpu.dma_semaphore, #tpu.memory_space<semaphore_mem>>, %arg14: memref<!tpu.dma_semaphore, #tpu.memory_space<semaphore_mem>>, %arg15: memref<!tpu.dma_semaphore, #tpu.memory_space<semaphore_mem>>, %arg16: memref<!tpu.dma_semaphore, #tpu.memory_space<semaphore_mem>>) attributes {dimension_semantics = [#tpu.dimension_semantics<core_parallel>, #tpu.dimension_semantics<subcore_parallel>], iteration_bounds = array<i64: 2, 16>, scalar_prefetch = 0 : i64, scratch_operands = 10 : i64, tpu.core_type = #tpu.core_type<sc_vector_subcore>, window_params = [{transform_indices = #map}, {transform_indices = #map1}, {transform_indices = #map1}, {transform_indices = #map}, {transform_indices = #map2}]} {
    %mul3A = arith.constant 2 : i32
    %mul3A_0 = arith.muli %arg1, %mul3A : i32
    %add3A = arith.addi %mul3A_0, %arg0 : i32
    %mul3A_1 = arith.constant 10240 : i32
    %mul3A_2 = arith.muli %add3A, %mul3A_1 : i32
    %mul3A_3 = arith.constant 640 : i32
    %mul3A_4 = arith.muli %arg1, %mul3A_3 : i32
    "tpu.region"() ({
      %run_scoped3A = tpu.sem_alloc : memref<!tpu.dma_semaphore, #tpu.memory_space<semaphore_mem>>
      %dma_start3A_19 = tpu.memref_slice %arg3[%mul3A_2] : memref<327680xi32, #tpu.memory_space<hbm>> -> memref<10240xi32, #tpu.memory_space<hbm>>
      %dma_start3A_20 = tpu.memref_slice %arg3[%mul3A_2] : memref<327680xi32, #tpu.memory_space<hbm>> -> memref<10240xi32, #tpu.memory_space<hbm>>
      tpu.enqueue_dma source(%dma_start3A_20 : memref<10240xi32, #tpu.memory_space<hbm>>) target(%arg7 : memref<10240xi32, #tpu.memory_space<vmem>>) target_semaphore(%run_scoped3A : memref<!tpu.dma_semaphore, #tpu.memory_space<semaphore_mem>>)
      %dma_wait3A = tpu.memref_slice %arg3[%mul3A_2] : memref<327680xi32, #tpu.memory_space<hbm>> -> memref<10240xi32, #tpu.memory_space<hbm>>
      %dma_wait3A_21 = tpu.memref_slice %arg3[%mul3A_2] : memref<327680xi32, #tpu.memory_space<hbm>> -> memref<10240xi32, #tpu.memory_space<hbm>>
      tpu.wait_dma2 semaphore(%run_scoped3A : memref<!tpu.dma_semaphore, #tpu.memory_space<semaphore_mem>>) src(%dma_wait3A_21 : memref<10240xi32, #tpu.memory_space<hbm>>) dst(%arg7 : memref<10240xi32, #tpu.memory_space<vmem>>)
      tpu.yield
    }) : () -> ()
    "tpu.region"() ({
      %run_scoped3A = tpu.sem_alloc : memref<!tpu.dma_semaphore, #tpu.memory_space<semaphore_mem>>
      %dma_start3A_19 = arith.constant 0 : i32
      %dma_start3A_20 = tpu.memref_slice %arg12[%mul3A_4, %dma_start3A_19] : memref<10240x128xf32, #tpu.memory_space<vmem_shared>> -> memref<640x128xf32, #tpu.memory_space<vmem_shared>>
      %dma_start3A_21 = arith.constant 0 : i32
      %dma_start3A_22 = tpu.memref_slice %arg5[%mul3A_4, %dma_start3A_21] : memref<10240x128xf32, #tpu.memory_space<hbm>> -> memref<640x128xf32, #tpu.memory_space<hbm>>
      tpu.enqueue_dma source(%dma_start3A_22 : memref<640x128xf32, #tpu.memory_space<hbm>>) target(%dma_start3A_20 : memref<640x128xf32, #tpu.memory_space<vmem_shared>>) target_semaphore(%run_scoped3A : memref<!tpu.dma_semaphore, #tpu.memory_space<semaphore_mem>>)
      %dma_wait3A = arith.constant 0 : i32
      %dma_wait3A_23 = tpu.memref_slice %arg12[%mul3A_4, %dma_wait3A] : memref<10240x128xf32, #tpu.memory_space<vmem_shared>> -> memref<640x128xf32, #tpu.memory_space<vmem_shared>>
      %dma_wait3A_24 = arith.constant 0 : i32
      %dma_wait3A_25 = tpu.memref_slice %arg5[%mul3A_4, %dma_wait3A_24] : memref<10240x128xf32, #tpu.memory_space<hbm>> -> memref<640x128xf32, #tpu.memory_space<hbm>>
      tpu.wait_dma2 semaphore(%run_scoped3A : memref<!tpu.dma_semaphore, #tpu.memory_space<semaphore_mem>>) src(%dma_wait3A_25 : memref<640x128xf32, #tpu.memory_space<hbm>>) dst(%dma_wait3A_23 : memref<640x128xf32, #tpu.memory_space<vmem_shared>>)
      tpu.yield
    }) : () -> ()
    %barrier3A = arith.constant 0 : index
    tpu.barrier barrier_id(%barrier3A)
    %add3A_5 = arith.constant 0 : i32
    %add3A_6 = arith.addi %mul3A_2, %add3A_5 : i32
    %dma_start3A = tpu.memref_slice %arg4[%add3A_6] : memref<327680xi32, #tpu.memory_space<hbm>> -> memref<128xi32, #tpu.memory_space<hbm>>
    %dma_start3A_7 = tpu.memref_slice %arg4[%add3A_6] : memref<327680xi32, #tpu.memory_space<hbm>> -> memref<128xi32, #tpu.memory_space<hbm>>
    tpu.enqueue_dma source(%dma_start3A_7 : memref<128xi32, #tpu.memory_space<hbm>>) target(%arg8 : memref<128xi32, #tpu.memory_space<vmem>>) target_semaphore(%arg15 : memref<!tpu.dma_semaphore, #tpu.memory_space<semaphore_mem>>)
    %dma_start3A_8 = arith.constant 0 : i32
    %dma_start3A_9 = tpu.memref_slice %arg7[%dma_start3A_8] : memref<10240xi32, #tpu.memory_space<vmem>> -> memref<128xi32, #tpu.memory_space<vmem>>
    %dma_start3A_10 = arith.constant 0 : i32
    %dma_start3A_11 = arith.constant 0 : i32
    %dma_start3A_12 = tpu.memref_slice %arg2[%dma_start3A_10, %dma_start3A_11] : memref<10000x128xf32, #tpu.memory_space<hbm>> -> memref<10000x128xf32, #tpu.memory_space<hbm>>
    tpu.enqueue_indirect_dma source(%dma_start3A_12 : memref<10000x128xf32, #tpu.memory_space<hbm>>) target(%arg10 : memref<128x128xf32, #tpu.memory_space<vmem>>) offsets(%dma_start3A_9 : memref<128xi32, #tpu.memory_space<vmem>>) semaphore(%arg13 : memref<!tpu.dma_semaphore, #tpu.memory_space<semaphore_mem>>)
    %scan3A = arith.constant 0 : i32
    %scan3A_13 = arith.constant 0 : i32
    %scan3A_14 = arith.constant 40 : i32
    %scan3A_15 = arith.addi %scan3A_13, %scan3A_14 : i32
    %scan3A_16 = arith.constant 1 : i32
    scf.for %scan3A_19 = %scan3A_13 to %scan3A_15 step %scan3A_16  : i32 {
      %mul3A_20 = arith.constant 2 : i32
      %mul3A_21 = arith.muli %mul3A_20, %scan3A_19 : i32
      %add3A_22 = arith.constant 1 : i32
      %add3A_23 = arith.addi %mul3A_21, %add3A_22 : i32
      %mul3A_24 = arith.constant 128 : i32
      %mul3A_25 = arith.muli %add3A_23, %mul3A_24 : i32
      %add3A_26 = arith.addi %mul3A_2, %mul3A_25 : i32
      %dma_start3A_27 = tpu.memref_slice %arg4[%add3A_26] : memref<327680xi32, #tpu.memory_space<hbm>> -> memref<128xi32, #tpu.memory_space<hbm>>
      %dma_start3A_28 = tpu.memref_slice %arg4[%add3A_26] : memref<327680xi32, #tpu.memory_space<hbm>> -> memref<128xi32, #tpu.memory_space<hbm>>
      tpu.enqueue_dma source(%dma_start3A_28 : memref<128xi32, #tpu.memory_space<hbm>>) target(%arg9 : memref<128xi32, #tpu.memory_space<vmem>>) target_semaphore(%arg16 : memref<!tpu.dma_semaphore, #tpu.memory_space<semaphore_mem>>)
      %mul3A_29 = arith.constant 128 : i32
      %mul3A_30 = arith.muli %add3A_23, %mul3A_29 : i32
      %dma_start3A_31 = tpu.memref_slice %arg7[%mul3A_30] : memref<10240xi32, #tpu.memory_space<vmem>> -> memref<128xi32, #tpu.memory_space<vmem>>
      %dma_start3A_32 = arith.constant 0 : i32
      %dma_start3A_33 = arith.constant 0 : i32
      %dma_start3A_34 = tpu.memref_slice %arg2[%dma_start3A_32, %dma_start3A_33] : memref<10000x128xf32, #tpu.memory_space<hbm>> -> memref<10000x128xf32, #tpu.memory_space<hbm>>
      tpu.enqueue_indirect_dma source(%dma_start3A_34 : memref<10000x128xf32, #tpu.memory_space<hbm>>) target(%arg11 : memref<128x128xf32, #tpu.memory_space<vmem>>) offsets(%dma_start3A_31 : memref<128xi32, #tpu.memory_space<vmem>>) semaphore(%arg14 : memref<!tpu.dma_semaphore, #tpu.memory_space<semaphore_mem>>)
      %dma_wait3A = arith.constant 0 : i32
      %dma_wait3A_35 = tpu.memref_slice %arg4[%dma_wait3A] : memref<327680xi32, #tpu.memory_space<hbm>> -> memref<128xi32, #tpu.memory_space<hbm>>
      %dma_wait3A_36 = arith.constant 0 : i32
      %dma_wait3A_37 = tpu.memref_slice %arg4[%dma_wait3A_36] : memref<327680xi32, #tpu.memory_space<hbm>> -> memref<128xi32, #tpu.memory_space<hbm>>
      tpu.wait_dma2 semaphore(%arg15 : memref<!tpu.dma_semaphore, #tpu.memory_space<semaphore_mem>>) src(%dma_wait3A_37 : memref<128xi32, #tpu.memory_space<hbm>>) dst(%arg8 : memref<128xi32, #tpu.memory_space<vmem>>)
      %dma_wait3A_38 = arith.constant 0 : i32
      %dma_wait3A_39 = arith.constant 0 : i32
      %dma_wait3A_40 = tpu.memref_slice %arg2[%dma_wait3A_38, %dma_wait3A_39] : memref<10000x128xf32, #tpu.memory_space<hbm>> -> memref<128x128xf32, #tpu.memory_space<hbm>>
      %dma_wait3A_41 = arith.constant 0 : i32
      %dma_wait3A_42 = arith.constant 0 : i32
      %dma_wait3A_43 = tpu.memref_slice %arg2[%dma_wait3A_41, %dma_wait3A_42] : memref<10000x128xf32, #tpu.memory_space<hbm>> -> memref<128x128xf32, #tpu.memory_space<hbm>>
      tpu.wait_dma2 semaphore(%arg13 : memref<!tpu.dma_semaphore, #tpu.memory_space<semaphore_mem>>) src(%dma_wait3A_43 : memref<128x128xf32, #tpu.memory_space<hbm>>) dst(%arg10 : memref<128x128xf32, #tpu.memory_space<vmem>>)
      "tpu.region"() ({
        %run_scoped3A = tpu.sem_alloc : memref<!tpu.dma_semaphore, #tpu.memory_space<semaphore_mem>>
        %dma_start3A_56 = arith.constant 0 : i32
        %dma_start3A_57 = arith.constant 0 : i32
        %dma_start3A_58 = tpu.memref_slice %arg12[%dma_start3A_56, %dma_start3A_57] : memref<10240x128xf32, #tpu.memory_space<vmem_shared>> -> memref<10240x128xf32, #tpu.memory_space<vmem_shared>>
        tpu.enqueue_indirect_dma source(%arg10 : memref<128x128xf32, #tpu.memory_space<vmem>>) target(%dma_start3A_58 : memref<10240x128xf32, #tpu.memory_space<vmem_shared>>) offsets(%arg8 : memref<128xi32, #tpu.memory_space<vmem>>) semaphore(%run_scoped3A : memref<!tpu.dma_semaphore, #tpu.memory_space<semaphore_mem>>) {add = true}
        %dma_wait3A_59 = arith.constant 0 : i32
        %dma_wait3A_60 = arith.constant 0 : i32
        %dma_wait3A_61 = tpu.memref_slice %arg12[%dma_wait3A_59, %dma_wait3A_60] : memref<10240x128xf32, #tpu.memory_space<vmem_shared>> -> memref<10240x128xf32, #tpu.memory_space<vmem_shared>>
        tpu.wait_indirect_dma semaphore(%run_scoped3A : memref<!tpu.dma_semaphore, #tpu.memory_space<semaphore_mem>>) src(%arg10 : memref<128x128xf32, #tpu.memory_space<vmem>>) dst(%dma_wait3A_61 : memref<10240x128xf32, #tpu.memory_space<vmem_shared>>)
        tpu.yield
      }) : () -> ()
      %lt3A = arith.constant 39 : i32
      %lt3A_44 = arith.cmpi slt, %scan3A_19, %lt3A : i32
      %convert_element_type3A = arith.extui %lt3A_44 : i1 to i32
      %cond3A = arith.constant 0 : i32
      %cond3A_45 = arith.cmpi ne, %convert_element_type3A, %cond3A : i32
      scf.if %cond3A_45 {
        %add3A_56 = arith.constant 2 : i32
        %add3A_57 = arith.addi %mul3A_21, %add3A_56 : i32
        %mul3A_58 = arith.constant 128 : i32
        %mul3A_59 = arith.muli %add3A_57, %mul3A_58 : i32
        %add3A_60 = arith.addi %mul3A_2, %mul3A_59 : i32
        %dma_start3A_61 = tpu.memref_slice %arg4[%add3A_60] : memref<327680xi32, #tpu.memory_space<hbm>> -> memref<128xi32, #tpu.memory_space<hbm>>
        %dma_start3A_62 = tpu.memref_slice %arg4[%add3A_60] : memref<327680xi32, #tpu.memory_space<hbm>> -> memref<128xi32, #tpu.memory_space<hbm>>
        tpu.enqueue_dma source(%dma_start3A_62 : memref<128xi32, #tpu.memory_space<hbm>>) target(%arg8 : memref<128xi32, #tpu.memory_space<vmem>>) target_semaphore(%arg15 : memref<!tpu.dma_semaphore, #tpu.memory_space<semaphore_mem>>)
        %mul3A_63 = arith.constant 128 : i32
        %mul3A_64 = arith.muli %add3A_57, %mul3A_63 : i32
        %dma_start3A_65 = tpu.memref_slice %arg7[%mul3A_64] : memref<10240xi32, #tpu.memory_space<vmem>> -> memref<128xi32, #tpu.memory_space<vmem>>
        %dma_start3A_66 = arith.constant 0 : i32
        %dma_start3A_67 = arith.constant 0 : i32
        %dma_start3A_68 = tpu.memref_slice %arg2[%dma_start3A_66, %dma_start3A_67] : memref<10000x128xf32, #tpu.memory_space<hbm>> -> memref<10000x128xf32, #tpu.memory_space<hbm>>
        tpu.enqueue_indirect_dma source(%dma_start3A_68 : memref<10000x128xf32, #tpu.memory_space<hbm>>) target(%arg10 : memref<128x128xf32, #tpu.memory_space<vmem>>) offsets(%dma_start3A_65 : memref<128xi32, #tpu.memory_space<vmem>>) semaphore(%arg13 : memref<!tpu.dma_semaphore, #tpu.memory_space<semaphore_mem>>)
      } else {
      }
      %dma_wait3A_46 = arith.constant 0 : i32
      %dma_wait3A_47 = tpu.memref_slice %arg4[%dma_wait3A_46] : memref<327680xi32, #tpu.memory_space<hbm>> -> memref<128xi32, #tpu.memory_space<hbm>>
      %dma_wait3A_48 = arith.constant 0 : i32
      %dma_wait3A_49 = tpu.memref_slice %arg4[%dma_wait3A_48] : memref<327680xi32, #tpu.memory_space<hbm>> -> memref<128xi32, #tpu.memory_space<hbm>>
      tpu.wait_dma2 semaphore(%arg16 : memref<!tpu.dma_semaphore, #tpu.memory_space<semaphore_mem>>) src(%dma_wait3A_49 : memref<128xi32, #tpu.memory_space<hbm>>) dst(%arg9 : memref<128xi32, #tpu.memory_space<vmem>>)
      %dma_wait3A_50 = arith.constant 0 : i32
      %dma_wait3A_51 = arith.constant 0 : i32
      %dma_wait3A_52 = tpu.memref_slice %arg2[%dma_wait3A_50, %dma_wait3A_51] : memref<10000x128xf32, #tpu.memory_space<hbm>> -> memref<128x128xf32, #tpu.memory_space<hbm>>
      %dma_wait3A_53 = arith.constant 0 : i32
      %dma_wait3A_54 = arith.constant 0 : i32
      %dma_wait3A_55 = tpu.memref_slice %arg2[%dma_wait3A_53, %dma_wait3A_54] : memref<10000x128xf32, #tpu.memory_space<hbm>> -> memref<128x128xf32, #tpu.memory_space<hbm>>
      tpu.wait_dma2 semaphore(%arg14 : memref<!tpu.dma_semaphore, #tpu.memory_space<semaphore_mem>>) src(%dma_wait3A_55 : memref<128x128xf32, #tpu.memory_space<hbm>>) dst(%arg11 : memref<128x128xf32, #tpu.memory_space<vmem>>)
      "tpu.region"() ({
        %run_scoped3A = tpu.sem_alloc : memref<!tpu.dma_semaphore, #tpu.memory_space<semaphore_mem>>
        %dma_start3A_56 = arith.constant 0 : i32
        %dma_start3A_57 = arith.constant 0 : i32
        %dma_start3A_58 = tpu.memref_slice %arg12[%dma_start3A_56, %dma_start3A_57] : memref<10240x128xf32, #tpu.memory_space<vmem_shared>> -> memref<10240x128xf32, #tpu.memory_space<vmem_shared>>
        tpu.enqueue_indirect_dma source(%arg11 : memref<128x128xf32, #tpu.memory_space<vmem>>) target(%dma_start3A_58 : memref<10240x128xf32, #tpu.memory_space<vmem_shared>>) offsets(%arg9 : memref<128xi32, #tpu.memory_space<vmem>>) semaphore(%run_scoped3A : memref<!tpu.dma_semaphore, #tpu.memory_space<semaphore_mem>>) {add = true}
        %dma_wait3A_59 = arith.constant 0 : i32
        %dma_wait3A_60 = arith.constant 0 : i32
        %dma_wait3A_61 = tpu.memref_slice %arg12[%dma_wait3A_59, %dma_wait3A_60] : memref<10240x128xf32, #tpu.memory_space<vmem_shared>> -> memref<10240x128xf32, #tpu.memory_space<vmem_shared>>
        tpu.wait_indirect_dma semaphore(%run_scoped3A : memref<!tpu.dma_semaphore, #tpu.memory_space<semaphore_mem>>) src(%arg11 : memref<128x128xf32, #tpu.memory_space<vmem>>) dst(%dma_wait3A_61 : memref<10240x128xf32, #tpu.memory_space<vmem_shared>>)
        tpu.yield
      }) : () -> ()
    }
    %scan3A_17 = arith.constant 40 : i32
    %barrier3A_18 = arith.constant 0 : index
    tpu.barrier barrier_id(%barrier3A_18)
    "tpu.region"() ({
      %run_scoped3A = tpu.sem_alloc : memref<!tpu.dma_semaphore, #tpu.memory_space<semaphore_mem>>
      %dma_start3A_19 = arith.constant 0 : i32
      %dma_start3A_20 = tpu.memref_slice %arg6[%arg0, %mul3A_4, %dma_start3A_19] : memref<2x10240x128xf32, #tpu.memory_space<hbm>> -> memref<1x640x128xf32, #tpu.memory_space<hbm>>
      %dma_start3A_21 = tpu.memref_squeeze %dma_start3A_20 : memref<1x640x128xf32, #tpu.memory_space<hbm>> -> memref<640x128xf32, #tpu.memory_space<hbm>>
      %dma_start3A_22 = arith.constant 0 : i32
      %dma_start3A_23 = tpu.memref_slice %arg12[%mul3A_4, %dma_start3A_22] : memref<10240x128xf32, #tpu.memory_space<vmem_shared>> -> memref<640x128xf32, #tpu.memory_space<vmem_shared>>
      tpu.enqueue_dma source(%dma_start3A_23 : memref<640x128xf32, #tpu.memory_space<vmem_shared>>) target(%dma_start3A_21 : memref<640x128xf32, #tpu.memory_space<hbm>>) target_semaphore(%run_scoped3A : memref<!tpu.dma_semaphore, #tpu.memory_space<semaphore_mem>>)
      %dma_wait3A = arith.constant 0 : i32
      %dma_wait3A_24 = tpu.memref_slice %arg6[%arg0, %mul3A_4, %dma_wait3A] : memref<2x10240x128xf32, #tpu.memory_space<hbm>> -> memref<1x640x128xf32, #tpu.memory_space<hbm>>
      %dma_wait3A_25 = tpu.memref_squeeze %dma_wait3A_24 : memref<1x640x128xf32, #tpu.memory_space<hbm>> -> memref<640x128xf32, #tpu.memory_space<hbm>>
      %dma_wait3A_26 = arith.constant 0 : i32
      %dma_wait3A_27 = tpu.memref_slice %arg12[%mul3A_4, %dma_wait3A_26] : memref<10240x128xf32, #tpu.memory_space<vmem_shared>> -> memref<640x128xf32, #tpu.memory_space<vmem_shared>>
      tpu.wait_dma2 semaphore(%run_scoped3A : memref<!tpu.dma_semaphore, #tpu.memory_space<semaphore_mem>>) src(%dma_wait3A_27 : memref<640x128xf32, #tpu.memory_space<vmem_shared>>) dst(%dma_wait3A_25 : memref<640x128xf32, #tpu.memory_space<hbm>>)
      tpu.yield
    }) : () -> ()
    return
  }
}

#map = affine_map<(d0, d1) -> (0, 0)>
#map1 = affine_map<(d0, d1) -> (0)>
#map2 = affine_map<(d0, d1) -> (0, 0, 0)>
module attributes {stable_mosaic.version = 14 : i64} {
  func.func @agg(%arg0: i32, %arg1: i32, %arg2: memref<10000x128xf32, #tpu.memory_space<hbm>>, %arg3: memref<327680xi32, #tpu.memory_space<hbm>>, %arg4: memref<327680xi32, #tpu.memory_space<hbm>>, %arg5: memref<10240x128xf32, #tpu.memory_space<hbm>>, %arg6: memref<2x10240x128xf32, #tpu.memory_space<hbm>>, %arg7: memref<10240xi32, #tpu.memory_space<vmem>>, %arg8: memref<128xi32, #tpu.memory_space<vmem>>, %arg9: memref<128xi32, #tpu.memory_space<vmem>>, %arg10: memref<128x128xf32, #tpu.memory_space<vmem>>, %arg11: memref<128x128xf32, #tpu.memory_space<vmem>>, %arg12: memref<10240x128xf32, #tpu.memory_space<vmem_shared>>, %arg13: memref<!tpu.dma_semaphore, #tpu.memory_space<semaphore_mem>>, %arg14: memref<!tpu.dma_semaphore, #tpu.memory_space<semaphore_mem>>, %arg15: memref<!tpu.dma_semaphore, #tpu.memory_space<semaphore_mem>>, %arg16: memref<!tpu.dma_semaphore, #tpu.memory_space<semaphore_mem>>) attributes {dimension_semantics = [#tpu.dimension_semantics<core_parallel>, #tpu.dimension_semantics<subcore_parallel>], iteration_bounds = array<i64: 2, 16>, scalar_prefetch = 0 : i64, scratch_operands = 10 : i64, tpu.core_type = #tpu.core_type<sc_vector_subcore>, window_params = [{transform_indices = #map}, {transform_indices = #map1}, {transform_indices = #map1}, {transform_indices = #map}, {transform_indices = #map2}]} {
    %mul3A = arith.constant 2 : i32
    %mul3A_0 = arith.muli %arg1, %mul3A : i32
    %add3A = arith.addi %mul3A_0, %arg0 : i32
    %mul3A_1 = arith.constant 10240 : i32
    %mul3A_2 = arith.muli %add3A, %mul3A_1 : i32
    %mul3A_3 = arith.constant 640 : i32
    %mul3A_4 = arith.muli %arg1, %mul3A_3 : i32
    "tpu.region"() ({
      %run_scoped3A = tpu.sem_alloc : memref<!tpu.dma_semaphore, #tpu.memory_space<semaphore_mem>>
      %dma_start3A_19 = tpu.memref_slice %arg3[%mul3A_2] : memref<327680xi32, #tpu.memory_space<hbm>> -> memref<10240xi32, #tpu.memory_space<hbm>>
      %dma_start3A_20 = tpu.memref_slice %arg3[%mul3A_2] : memref<327680xi32, #tpu.memory_space<hbm>> -> memref<10240xi32, #tpu.memory_space<hbm>>
      tpu.enqueue_dma source(%dma_start3A_20 : memref<10240xi32, #tpu.memory_space<hbm>>) target(%arg7 : memref<10240xi32, #tpu.memory_space<vmem>>) target_semaphore(%run_scoped3A : memref<!tpu.dma_semaphore, #tpu.memory_space<semaphore_mem>>)
      %dma_wait3A = tpu.memref_slice %arg3[%mul3A_2] : memref<327680xi32, #tpu.memory_space<hbm>> -> memref<10240xi32, #tpu.memory_space<hbm>>
      %dma_wait3A_21 = tpu.memref_slice %arg3[%mul3A_2] : memref<327680xi32, #tpu.memory_space<hbm>> -> memref<10240xi32, #tpu.memory_space<hbm>>
      tpu.wait_dma2 semaphore(%run_scoped3A : memref<!tpu.dma_semaphore, #tpu.memory_space<semaphore_mem>>) src(%dma_wait3A_21 : memref<10240xi32, #tpu.memory_space<hbm>>) dst(%arg7 : memref<10240xi32, #tpu.memory_space<vmem>>)
      tpu.yield
    }) : () -> ()
    "tpu.region"() ({
      %run_scoped3A = tpu.sem_alloc : memref<!tpu.dma_semaphore, #tpu.memory_space<semaphore_mem>>
      %dma_start3A_19 = arith.constant 0 : i32
      %dma_start3A_20 = tpu.memref_slice %arg12[%mul3A_4, %dma_start3A_19] : memref<10240x128xf32, #tpu.memory_space<vmem_shared>> -> memref<640x128xf32, #tpu.memory_space<vmem_shared>>
      %dma_start3A_21 = arith.constant 0 : i32
      %dma_start3A_22 = tpu.memref_slice %arg5[%mul3A_4, %dma_start3A_21] : memref<10240x128xf32, #tpu.memory_space<hbm>> -> memref<640x128xf32, #tpu.memory_space<hbm>>
      tpu.enqueue_dma source(%dma_start3A_22 : memref<640x128xf32, #tpu.memory_space<hbm>>) target(%dma_start3A_20 : memref<640x128xf32, #tpu.memory_space<vmem_shared>>) target_semaphore(%run_scoped3A : memref<!tpu.dma_semaphore, #tpu.memory_space<semaphore_mem>>)
      %dma_wait3A = arith.constant 0 : i32
      %dma_wait3A_23 = tpu.memref_slice %arg12[%mul3A_4, %dma_wait3A] : memref<10240x128xf32, #tpu.memory_space<vmem_shared>> -> memref<640x128xf32, #tpu.memory_space<vmem_shared>>
      %dma_wait3A_24 = arith.constant 0 : i32
      %dma_wait3A_25 = tpu.memref_slice %arg5[%mul3A_4, %dma_wait3A_24] : memref<10240x128xf32, #tpu.memory_space<hbm>> -> memref<640x128xf32, #tpu.memory_space<hbm>>
      tpu.wait_dma2 semaphore(%run_scoped3A : memref<!tpu.dma_semaphore, #tpu.memory_space<semaphore_mem>>) src(%dma_wait3A_25 : memref<640x128xf32, #tpu.memory_space<hbm>>) dst(%dma_wait3A_23 : memref<640x128xf32, #tpu.memory_space<vmem_shared>>)
      tpu.yield
    }) : () -> ()
    %barrier3A = arith.constant 0 : index
    tpu.barrier barrier_id(%barrier3A)
    %add3A_5 = arith.constant 0 : i32
    %add3A_6 = arith.addi %mul3A_2, %add3A_5 : i32
    %dma_start3A = tpu.memref_slice %arg4[%add3A_6] : memref<327680xi32, #tpu.memory_space<hbm>> -> memref<128xi32, #tpu.memory_space<hbm>>
    %dma_start3A_7 = tpu.memref_slice %arg4[%add3A_6] : memref<327680xi32, #tpu.memory_space<hbm>> -> memref<128xi32, #tpu.memory_space<hbm>>
    tpu.enqueue_dma source(%dma_start3A_7 : memref<128xi32, #tpu.memory_space<hbm>>) target(%arg8 : memref<128xi32, #tpu.memory_space<vmem>>) target_semaphore(%arg15 : memref<!tpu.dma_semaphore, #tpu.memory_space<semaphore_mem>>)
    %dma_start3A_8 = arith.constant 0 : i32
    %dma_start3A_9 = tpu.memref_slice %arg7[%dma_start3A_8] : memref<10240xi32, #tpu.memory_space<vmem>> -> memref<128xi32, #tpu.memory_space<vmem>>
    %dma_start3A_10 = arith.constant 0 : i32
    %dma_start3A_11 = arith.constant 0 : i32
    %dma_start3A_12 = tpu.memref_slice %arg2[%dma_start3A_10, %dma_start3A_11] : memref<10000x128xf32, #tpu.memory_space<hbm>> -> memref<10000x128xf32, #tpu.memory_space<hbm>>
    tpu.enqueue_indirect_dma source(%dma_start3A_12 : memref<10000x128xf32, #tpu.memory_space<hbm>>) target(%arg10 : memref<128x128xf32, #tpu.memory_space<vmem>>) offsets(%dma_start3A_9 : memref<128xi32, #tpu.memory_space<vmem>>) semaphore(%arg13 : memref<!tpu.dma_semaphore, #tpu.memory_space<semaphore_mem>>)
    %scan3A = arith.constant 0 : i32
    %scan3A_13 = arith.constant 0 : i32
    %scan3A_14 = arith.constant 40 : i32
    %scan3A_15 = arith.addi %scan3A_13, %scan3A_14 : i32
    %scan3A_16 = arith.constant 1 : i32
    scf.for %scan3A_19 = %scan3A_13 to %scan3A_15 step %scan3A_16  : i32 {
      %mul3A_20 = arith.constant 2 : i32
      %mul3A_21 = arith.muli %mul3A_20, %scan3A_19 : i32
      %add3A_22 = arith.constant 1 : i32
      %add3A_23 = arith.addi %mul3A_21, %add3A_22 : i32
      %mul3A_24 = arith.constant 128 : i32
      %mul3A_25 = arith.muli %add3A_23, %mul3A_24 : i32
      %add3A_26 = arith.addi %mul3A_2, %mul3A_25 : i32
      %dma_start3A_27 = tpu.memref_slice %arg4[%add3A_26] : memref<327680xi32, #tpu.memory_space<hbm>> -> memref<128xi32, #tpu.memory_space<hbm>>
      %dma_start3A_28 = tpu.memref_slice %arg4[%add3A_26] : memref<327680xi32, #tpu.memory_space<hbm>> -> memref<128xi32, #tpu.memory_space<hbm>>
      tpu.enqueue_dma source(%dma_start3A_28 : memref<128xi32, #tpu.memory_space<hbm>>) target(%arg9 : memref<128xi32, #tpu.memory_space<vmem>>) target_semaphore(%arg16 : memref<!tpu.dma_semaphore, #tpu.memory_space<semaphore_mem>>)
      %mul3A_29 = arith.constant 128 : i32
      %mul3A_30 = arith.muli %add3A_23, %mul3A_29 : i32
      %dma_start3A_31 = tpu.memref_slice %arg7[%mul3A_30] : memref<10240xi32, #tpu.memory_space<vmem>> -> memref<128xi32, #tpu.memory_space<vmem>>
      %dma_start3A_32 = arith.constant 0 : i32
      %dma_start3A_33 = arith.constant 0 : i32
      %dma_start3A_34 = tpu.memref_slice %arg2[%dma_start3A_32, %dma_start3A_33] : memref<10000x128xf32, #tpu.memory_space<hbm>> -> memref<10000x128xf32, #tpu.memory_space<hbm>>
      tpu.enqueue_indirect_dma source(%dma_start3A_34 : memref<10000x128xf32, #tpu.memory_space<hbm>>) target(%arg11 : memref<128x128xf32, #tpu.memory_space<vmem>>) offsets(%dma_start3A_31 : memref<128xi32, #tpu.memory_space<vmem>>) semaphore(%arg14 : memref<!tpu.dma_semaphore, #tpu.memory_space<semaphore_mem>>)
      %dma_wait3A = arith.constant 0 : i32
      %dma_wait3A_35 = tpu.memref_slice %arg4[%dma_wait3A] : memref<327680xi32, #tpu.memory_space<hbm>> -> memref<128xi32, #tpu.memory_space<hbm>>
      %dma_wait3A_36 = arith.constant 0 : i32
      %dma_wait3A_37 = tpu.memref_slice %arg4[%dma_wait3A_36] : memref<327680xi32, #tpu.memory_space<hbm>> -> memref<128xi32, #tpu.memory_space<hbm>>
      tpu.wait_dma2 semaphore(%arg15 : memref<!tpu.dma_semaphore, #tpu.memory_space<semaphore_mem>>) src(%dma_wait3A_37 : memref<128xi32, #tpu.memory_space<hbm>>) dst(%arg8 : memref<128xi32, #tpu.memory_space<vmem>>)
      %dma_wait3A_38 = arith.constant 0 : i32
      %dma_wait3A_39 = arith.constant 0 : i32
      %dma_wait3A_40 = tpu.memref_slice %arg2[%dma_wait3A_38, %dma_wait3A_39] : memref<10000x128xf32, #tpu.memory_space<hbm>> -> memref<128x128xf32, #tpu.memory_space<hbm>>
      %dma_wait3A_41 = arith.constant 0 : i32
      %dma_wait3A_42 = arith.constant 0 : i32
      %dma_wait3A_43 = tpu.memref_slice %arg2[%dma_wait3A_41, %dma_wait3A_42] : memref<10000x128xf32, #tpu.memory_space<hbm>> -> memref<128x128xf32, #tpu.memory_space<hbm>>
      tpu.wait_dma2 semaphore(%arg13 : memref<!tpu.dma_semaphore, #tpu.memory_space<semaphore_mem>>) src(%dma_wait3A_43 : memref<128x128xf32, #tpu.memory_space<hbm>>) dst(%arg10 : memref<128x128xf32, #tpu.memory_space<vmem>>)
      "tpu.region"() ({
        %run_scoped3A = tpu.sem_alloc : memref<!tpu.dma_semaphore, #tpu.memory_space<semaphore_mem>>
        %dma_start3A_56 = arith.constant 0 : i32
        %dma_start3A_57 = arith.constant 0 : i32
        %dma_start3A_58 = tpu.memref_slice %arg12[%dma_start3A_56, %dma_start3A_57] : memref<10240x128xf32, #tpu.memory_space<vmem_shared>> -> memref<10240x128xf32, #tpu.memory_space<vmem_shared>>
        tpu.enqueue_indirect_dma source(%arg10 : memref<128x128xf32, #tpu.memory_space<vmem>>) target(%dma_start3A_58 : memref<10240x128xf32, #tpu.memory_space<vmem_shared>>) offsets(%arg8 : memref<128xi32, #tpu.memory_space<vmem>>) semaphore(%run_scoped3A : memref<!tpu.dma_semaphore, #tpu.memory_space<semaphore_mem>>) {add = true}
        %dma_wait3A_59 = arith.constant 0 : i32
        %dma_wait3A_60 = arith.constant 0 : i32
        %dma_wait3A_61 = tpu.memref_slice %arg12[%dma_wait3A_59, %dma_wait3A_60] : memref<10240x128xf32, #tpu.memory_space<vmem_shared>> -> memref<10240x128xf32, #tpu.memory_space<vmem_shared>>
        tpu.wait_indirect_dma semaphore(%run_scoped3A : memref<!tpu.dma_semaphore, #tpu.memory_space<semaphore_mem>>) src(%arg10 : memref<128x128xf32, #tpu.memory_space<vmem>>) dst(%dma_wait3A_61 : memref<10240x128xf32, #tpu.memory_space<vmem_shared>>)
        tpu.yield
      }) : () -> ()
      %lt3A = arith.constant 39 : i32
      %lt3A_44 = arith.cmpi slt, %scan3A_19, %lt3A : i32
      %convert_element_type3A = arith.extui %lt3A_44 : i1 to i32
      %cond3A = arith.constant 0 : i32
      %cond3A_45 = arith.cmpi ne, %convert_element_type3A, %cond3A : i32
      scf.if %cond3A_45 {
        %add3A_56 = arith.constant 2 : i32
        %add3A_57 = arith.addi %mul3A_21, %add3A_56 : i32
        %mul3A_58 = arith.constant 128 : i32
        %mul3A_59 = arith.muli %add3A_57, %mul3A_58 : i32
        %add3A_60 = arith.addi %mul3A_2, %mul3A_59 : i32
        %dma_start3A_61 = tpu.memref_slice %arg4[%add3A_60] : memref<327680xi32, #tpu.memory_space<hbm>> -> memref<128xi32, #tpu.memory_space<hbm>>
        %dma_start3A_62 = tpu.memref_slice %arg4[%add3A_60] : memref<327680xi32, #tpu.memory_space<hbm>> -> memref<128xi32, #tpu.memory_space<hbm>>
        tpu.enqueue_dma source(%dma_start3A_62 : memref<128xi32, #tpu.memory_space<hbm>>) target(%arg8 : memref<128xi32, #tpu.memory_space<vmem>>) target_semaphore(%arg15 : memref<!tpu.dma_semaphore, #tpu.memory_space<semaphore_mem>>)
        %mul3A_63 = arith.constant 128 : i32
        %mul3A_64 = arith.muli %add3A_57, %mul3A_63 : i32
        %dma_start3A_65 = tpu.memref_slice %arg7[%mul3A_64] : memref<10240xi32, #tpu.memory_space<vmem>> -> memref<128xi32, #tpu.memory_space<vmem>>
        %dma_start3A_66 = arith.constant 0 : i32
        %dma_start3A_67 = arith.constant 0 : i32
        %dma_start3A_68 = tpu.memref_slice %arg2[%dma_start3A_66, %dma_start3A_67] : memref<10000x128xf32, #tpu.memory_space<hbm>> -> memref<10000x128xf32, #tpu.memory_space<hbm>>
        tpu.enqueue_indirect_dma source(%dma_start3A_68 : memref<10000x128xf32, #tpu.memory_space<hbm>>) target(%arg10 : memref<128x128xf32, #tpu.memory_space<vmem>>) offsets(%dma_start3A_65 : memref<128xi32, #tpu.memory_space<vmem>>) semaphore(%arg13 : memref<!tpu.dma_semaphore, #tpu.memory_space<semaphore_mem>>)
      } else {
      }
      %dma_wait3A_46 = arith.constant 0 : i32
      %dma_wait3A_47 = tpu.memref_slice %arg4[%dma_wait3A_46] : memref<327680xi32, #tpu.memory_space<hbm>> -> memref<128xi32, #tpu.memory_space<hbm>>
      %dma_wait3A_48 = arith.constant 0 : i32
      %dma_wait3A_49 = tpu.memref_slice %arg4[%dma_wait3A_48] : memref<327680xi32, #tpu.memory_space<hbm>> -> memref<128xi32, #tpu.memory_space<hbm>>
      tpu.wait_dma2 semaphore(%arg16 : memref<!tpu.dma_semaphore, #tpu.memory_space<semaphore_mem>>) src(%dma_wait3A_49 : memref<128xi32, #tpu.memory_space<hbm>>) dst(%arg9 : memref<128xi32, #tpu.memory_space<vmem>>)
      %dma_wait3A_50 = arith.constant 0 : i32
      %dma_wait3A_51 = arith.constant 0 : i32
      %dma_wait3A_52 = tpu.memref_slice %arg2[%dma_wait3A_50, %dma_wait3A_51] : memref<10000x128xf32, #tpu.memory_space<hbm>> -> memref<128x128xf32, #tpu.memory_space<hbm>>
      %dma_wait3A_53 = arith.constant 0 : i32
      %dma_wait3A_54 = arith.constant 0 : i32
      %dma_wait3A_55 = tpu.memref_slice %arg2[%dma_wait3A_53, %dma_wait3A_54] : memref<10000x128xf32, #tpu.memory_space<hbm>> -> memref<128x128xf32, #tpu.memory_space<hbm>>
      tpu.wait_dma2 semaphore(%arg14 : memref<!tpu.dma_semaphore, #tpu.memory_space<semaphore_mem>>) src(%dma_wait3A_55 : memref<128x128xf32, #tpu.memory_space<hbm>>) dst(%arg11 : memref<128x128xf32, #tpu.memory_space<vmem>>)
      "tpu.region"() ({
        %run_scoped3A = tpu.sem_alloc : memref<!tpu.dma_semaphore, #tpu.memory_space<semaphore_mem>>
        %dma_start3A_56 = arith.constant 0 : i32
        %dma_start3A_57 = arith.constant 0 : i32
        %dma_start3A_58 = tpu.memref_slice %arg12[%dma_start3A_56, %dma_start3A_57] : memref<10240x128xf32, #tpu.memory_space<vmem_shared>> -> memref<10240x128xf32, #tpu.memory_space<vmem_shared>>
        tpu.enqueue_indirect_dma source(%arg11 : memref<128x128xf32, #tpu.memory_space<vmem>>) target(%dma_start3A_58 : memref<10240x128xf32, #tpu.memory_space<vmem_shared>>) offsets(%arg9 : memref<128xi32, #tpu.memory_space<vmem>>) semaphore(%run_scoped3A : memref<!tpu.dma_semaphore, #tpu.memory_space<semaphore_mem>>) {add = true}
        %dma_wait3A_59 = arith.constant 0 : i32
        %dma_wait3A_60 = arith.constant 0 : i32
        %dma_wait3A_61 = tpu.memref_slice %arg12[%dma_wait3A_59, %dma_wait3A_60] : memref<10240x128xf32, #tpu.memory_space<vmem_shared>> -> memref<10240x128xf32, #tpu.memory_space<vmem_shared>>
        tpu.wait_indirect_dma semaphore(%run_scoped3A : memref<!tpu.dma_semaphore, #tpu.memory_space<semaphore_mem>>) src(%arg11 : memref<128x128xf32, #tpu.memory_space<vmem>>) dst(%dma_wait3A_61 : memref<10240x128xf32, #tpu.memory_space<vmem_shared>>)
        tpu.yield
      }) : () -> ()
    }
    %scan3A_17 = arith.constant 40 : i32
    %barrier3A_18 = arith.constant 0 : index
    tpu.barrier barrier_id(%barrier3A_18)
    "tpu.region"() ({
      %run_scoped3A = tpu.sem_alloc : memref<!tpu.dma_semaphore, #tpu.memory_space<semaphore_mem>>
      %dma_start3A_19 = arith.constant 0 : i32
      %dma_start3A_20 = tpu.memref_slice %arg6[%arg0, %mul3A_4, %dma_start3A_19] : memref<2x10240x128xf32, #tpu.memory_space<hbm>> -> memref<1x640x128xf32, #tpu.memory_space<hbm>>
      %dma_start3A_21 = tpu.memref_squeeze %dma_start3A_20 : memref<1x640x128xf32, #tpu.memory_space<hbm>> -> memref<640x128xf32, #tpu.memory_space<hbm>>
      %dma_start3A_22 = arith.constant 0 : i32
      %dma_start3A_23 = tpu.memref_slice %arg12[%mul3A_4, %dma_start3A_22] : memref<10240x128xf32, #tpu.memory_space<vmem_shared>> -> memref<640x128xf32, #tpu.memory_space<vmem_shared>>
      tpu.enqueue_dma source(%dma_start3A_23 : memref<640x128xf32, #tpu.memory_space<vmem_shared>>) target(%dma_start3A_21 : memref<640x128xf32, #tpu.memory_space<hbm>>) target_semaphore(%run_scoped3A : memref<!tpu.dma_semaphore, #tpu.memory_space<semaphore_mem>>)
      %dma_wait3A = arith.constant 0 : i32
      %dma_wait3A_24 = tpu.memref_slice %arg6[%arg0, %mul3A_4, %dma_wait3A] : memref<2x10240x128xf32, #tpu.memory_space<hbm>> -> memref<1x640x128xf32, #tpu.memory_space<hbm>>
      %dma_wait3A_25 = tpu.memref_squeeze %dma_wait3A_24 : memref<1x640x128xf32, #tpu.memory_space<hbm>> -> memref<640x128xf32, #tpu.memory_space<hbm>>
      %dma_wait3A_26 = arith.constant 0 : i32
      %dma_wait3A_27 = tpu.memref_slice %arg12[%mul3A_4, %dma_wait3A_26] : memref<10240x128xf32, #tpu.memory_space<vmem_shared>> -> memref<640x128xf32, #tpu.memory_space<vmem_shared>>
      tpu.wait_dma2 semaphore(%run_scoped3A : memref<!tpu.dma_semaphore, #tpu.memory_space<semaphore_mem>>) src(%dma_wait3A_27 : memref<640x128xf32, #tpu.memory_space<vmem_shared>>) dst(%dma_wait3A_25 : memref<640x128xf32, #tpu.memory_space<hbm>>)
      tpu.yield
    }) : () -> ()
    return
  }
}

module attributes {stable_mosaic.version = 14 : i64} {
  func.func @_tc1_body(%arg0: i32, %arg1: memref<1x1000x128xf32, #tpu.memory_space<vmem>>, %arg2: memref<1x1000x128xf32, #tpu.memory_space<vmem>>, %arg3: memref<1000x1xf32, #tpu.memory_space<vmem>>, %arg4: memref<1000x1xf32, #tpu.memory_space<vmem>>, %arg5: memref<1000x128xf32, #tpu.memory_space<vmem>>, %arg6: memref<128x128xf32, #tpu.memory_space<vmem>>, %arg7: memref<1x128xf32, #tpu.memory_space<vmem>>, %arg8: memref<128x128xf32, #tpu.memory_space<vmem>>, %arg9: memref<1000x128xf32, #tpu.memory_space<vmem>>, %arg10: memref<1000x1xf32, #tpu.memory_space<vmem>>) attributes {dimension_semantics = [#tpu.dimension_semantics<arbitrary>], iteration_bounds = array<i64: 10>, scalar_prefetch = 0 : i64, scratch_operands = 0 : i64, tpu.core_type = #tpu.core_type<tc>, window_params = [{transform_indices = @transform_0, window_bounds = array<i64: 1, 1000, 128>}, {transform_indices = @transform_1, window_bounds = array<i64: 1, 1000, 128>}, {transform_indices = @transform_2, window_bounds = array<i64: 1000, 1>}, {transform_indices = @transform_3, window_bounds = array<i64: 1000, 1>}, {transform_indices = @transform_4, window_bounds = array<i64: 1000, 128>}, {pipeline_mode = #tpu.pipeline_mode<synchronous>, transform_indices = @transform_5, window_bounds = array<i64: 128, 128>}, {pipeline_mode = #tpu.pipeline_mode<synchronous>, transform_indices = @transform_6, window_bounds = array<i64: 1, 128>}, {pipeline_mode = #tpu.pipeline_mode<synchronous>, transform_indices = @transform_7, window_bounds = array<i64: 128, 128>}, {transform_indices = @transform_8, window_bounds = array<i64: 1000, 128>}, {transform_indices = @transform_9, window_bounds = array<i64: 1000, 1>}]} {
    %get3A = arith.constant 0 : index
    %get3A_0 = arith.constant 0 : index
    %get3A_1 = vector.load %arg3[%get3A, %get3A_0] : memref<1000x1xf32, #tpu.memory_space<vmem>>, vector<1000x1xf32>
    %get3A_2 = arith.constant 0 : index
    %get3A_3 = arith.constant 0 : index
    %get3A_4 = vector.load %arg4[%get3A_2, %get3A_3] : memref<1000x1xf32, #tpu.memory_space<vmem>>, vector<1000x1xf32>
    %add3A = arith.addf %get3A_1, %get3A_4 : vector<1000x1xf32>
    %max3A = arith.constant 1.000000e+00 : f32
    %max3A_5 = vector.broadcast %max3A : f32 to vector<1000x1xf32>
    %max3A_6 = arith.maximumf %add3A, %max3A_5 : vector<1000x1xf32>
    %div3A = arith.constant 1.000000e+00 : f32
    %div3A_7 = vector.broadcast %div3A : f32 to vector<1000x1xf32>
    %div3A_8 = arith.divf %div3A_7, %max3A_6 : vector<1000x1xf32>
    %get3A_9 = arith.constant 0 : index
    %get3A_10 = arith.constant 0 : index
    %get3A_11 = arith.constant 0 : index
    %get3A_12 = vector.load %arg1[%get3A_9, %get3A_10, %get3A_11] : memref<1x1000x128xf32, #tpu.memory_space<vmem>>, vector<1x1000x128xf32>
    %get3A_13 = vector.shape_cast %get3A_12 : vector<1x1000x128xf32> to vector<1000x128xf32>
    %get3A_14 = arith.constant 0 : index
    %get3A_15 = arith.constant 0 : index
    %get3A_16 = arith.constant 0 : index
    %get3A_17 = vector.load %arg2[%get3A_14, %get3A_15, %get3A_16] : memref<1x1000x128xf32, #tpu.memory_space<vmem>>, vector<1x1000x128xf32>
    %get3A_18 = vector.shape_cast %get3A_17 : vector<1x1000x128xf32> to vector<1000x128xf32>
    %add3A_19 = arith.addf %get3A_13, %get3A_18 : vector<1000x128xf32>
    %mul3A = vector.broadcast %div3A_8 : vector<1000x1xf32> to vector<1000x128xf32>
    %mul3A_20 = arith.mulf %add3A_19, %mul3A : vector<1000x128xf32>
    %get3A_21 = arith.constant 0 : index
    %get3A_22 = arith.constant 0 : index
    %get3A_23 = vector.load %arg6[%get3A_21, %get3A_22] : memref<128x128xf32, #tpu.memory_space<vmem>>, vector<128x128xf32>
    %dot_general3A = arith.constant dense<0.000000e+00> : vector<1000x128xf32>
    %dot_general3A_24 = tpu.matmul %mul3A_20, %get3A_23, %dot_general3A {dimension_numbers = #tpu.dot_dimension_numbers<[1], [0], [0], [1], [0, 0, 1, 1], [], []>, transpose_lhs_hint = false} : vector<1000x128xf32>, vector<128x128xf32>, vector<1000x128xf32> -> vector<1000x128xf32>
    %get3A_25 = arith.constant 0 : index
    %get3A_26 = arith.constant 0 : index
    %get3A_27 = vector.load %arg5[%get3A_25, %get3A_26] : memref<1000x128xf32, #tpu.memory_space<vmem>>, vector<1000x128xf32>
    %get3A_28 = arith.constant 0 : index
    %get3A_29 = arith.constant 0 : index
    %get3A_30 = vector.load %arg8[%get3A_28, %get3A_29] : memref<128x128xf32, #tpu.memory_space<vmem>>, vector<128x128xf32>
    %dot_general3A_31 = arith.constant dense<0.000000e+00> : vector<1000x128xf32>
    %dot_general3A_32 = tpu.matmul %get3A_27, %get3A_30, %dot_general3A_31 {dimension_numbers = #tpu.dot_dimension_numbers<[1], [0], [0], [1], [0, 0, 1, 1], [], []>, transpose_lhs_hint = false} : vector<1000x128xf32>, vector<128x128xf32>, vector<1000x128xf32> -> vector<1000x128xf32>
    %add3A_33 = arith.addf %dot_general3A_24, %dot_general3A_32 : vector<1000x128xf32>
    %get3A_34 = arith.constant 0 : index
    %get3A_35 = arith.constant 0 : index
    %get3A_36 = vector.load %arg7[%get3A_34, %get3A_35] : memref<1x128xf32, #tpu.memory_space<vmem>>, vector<1x128xf32>
    %add3A_37 = vector.broadcast %get3A_36 : vector<1x128xf32> to vector<1000x128xf32>
    %add3A_38 = arith.addf %add3A_33, %add3A_37 : vector<1000x128xf32>
    %max3A_39 = arith.constant 0.000000e+00 : f32
    %max3A_40 = vector.broadcast %max3A_39 : f32 to vector<1000x128xf32>
    %max3A_41 = arith.maximumf %add3A_38, %max3A_40 : vector<1000x128xf32>
    %swap3A = arith.constant 0 : index
    %swap3A_42 = arith.constant 0 : index
    %swap3A_43 = vector.load %arg9[%swap3A, %swap3A_42] : memref<1000x128xf32, #tpu.memory_space<vmem>>, vector<1000x128xf32>
    tpu.vector_store %arg9[%swap3A, %swap3A_42], %max3A_41 {strides = array<i32>} : memref<1000x128xf32, #tpu.memory_space<vmem>>, vector<1000x128xf32>,
    %swap3A_44 = arith.constant 0 : index
    %swap3A_45 = arith.constant 0 : index
    %swap3A_46 = vector.load %arg10[%swap3A_44, %swap3A_45] : memref<1000x1xf32, #tpu.memory_space<vmem>>, vector<1000x1xf32>
    tpu.vector_store %arg10[%swap3A_44, %swap3A_45], %div3A_8 {strides = array<i32>} : memref<1000x1xf32, #tpu.memory_space<vmem>>, vector<1000x1xf32>,
    return
  }
  func.func @transform_0(%arg0: i32) -> (i32, i32, i32) {
    %c0_i32 = arith.constant 0 : i32
    %c0_i32_0 = arith.constant 0 : i32
    %c0_i32_1 = arith.constant 0 : i32
    return %c0_i32, %arg0, %c0_i32_0 : i32, i32, i32
  }
  func.func @transform_1(%arg0: i32) -> (i32, i32, i32) {
    %c1_i32 = arith.constant 1 : i32
    %c0_i32 = arith.constant 0 : i32
    %c0_i32_0 = arith.constant 0 : i32
    return %c1_i32, %arg0, %c0_i32 : i32, i32, i32
  }
  func.func @transform_2(%arg0: i32) -> (i32, i32) {
    %c0_i32 = arith.constant 0 : i32
    %c0_i32_0 = arith.constant 0 : i32
    return %arg0, %c0_i32 : i32, i32
  }
  func.func @transform_3(%arg0: i32) -> (i32, i32) {
    %c0_i32 = arith.constant 0 : i32
    %c0_i32_0 = arith.constant 0 : i32
    return %arg0, %c0_i32 : i32, i32
  }
  func.func @transform_4(%arg0: i32) -> (i32, i32) {
    %c0_i32 = arith.constant 0 : i32
    %c0_i32_0 = arith.constant 0 : i32
    return %arg0, %c0_i32 : i32, i32
  }
  func.func @transform_5(%arg0: i32) -> (i32, i32) {
    %c0_i32 = arith.constant 0 : i32
    %c0_i32_0 = arith.constant 0 : i32
    %c0_i32_1 = arith.constant 0 : i32
    return %c0_i32, %c0_i32_0 : i32, i32
  }
  func.func @transform_6(%arg0: i32) -> (i32, i32) {
    %c0_i32 = arith.constant 0 : i32
    %c0_i32_0 = arith.constant 0 : i32
    %c0_i32_1 = arith.constant 0 : i32
    return %c0_i32, %c0_i32_0 : i32, i32
  }
  func.func @transform_7(%arg0: i32) -> (i32, i32) {
    %c0_i32 = arith.constant 0 : i32
    %c0_i32_0 = arith.constant 0 : i32
    %c0_i32_1 = arith.constant 0 : i32
    return %c0_i32, %c0_i32_0 : i32, i32
  }
  func.func @transform_8(%arg0: i32) -> (i32, i32) {
    %c0_i32 = arith.constant 0 : i32
    %c0_i32_0 = arith.constant 0 : i32
    return %arg0, %c0_i32 : i32, i32
  }
  func.func @transform_9(%arg0: i32) -> (i32, i32) {
    %c0_i32 = arith.constant 0 : i32
    %c0_i32_0 = arith.constant 0 : i32
    return %arg0, %c0_i32 : i32, i32
  }
}

module attributes {stable_mosaic.version = 14 : i64} {
  func.func @body(%arg0: i32, %arg1: memref<1x1000x128xf32, #tpu.memory_space<vmem>>, %arg2: memref<1x1000x128xf32, #tpu.memory_space<vmem>>, %arg3: memref<1000x128xf32, #tpu.memory_space<vmem>>, %arg4: memref<1000x1xf32, #tpu.memory_space<vmem>>, %arg5: memref<128x128xf32, #tpu.memory_space<vmem>>, %arg6: memref<1x128xf32, #tpu.memory_space<vmem>>, %arg7: memref<128x128xf32, #tpu.memory_space<vmem>>, %arg8: memref<1000x128xf32, #tpu.memory_space<vmem>>) attributes {dimension_semantics = [#tpu.dimension_semantics<arbitrary>], iteration_bounds = array<i64: 10>, scalar_prefetch = 0 : i64, scratch_operands = 0 : i64, tpu.core_type = #tpu.core_type<tc>, window_params = [{transform_indices = @transform_0, window_bounds = array<i64: 1, 1000, 128>}, {transform_indices = @transform_1, window_bounds = array<i64: 1, 1000, 128>}, {transform_indices = @transform_2, window_bounds = array<i64: 1000, 128>}, {transform_indices = @transform_3, window_bounds = array<i64: 1000, 1>}, {pipeline_mode = #tpu.pipeline_mode<synchronous>, transform_indices = @transform_4, window_bounds = array<i64: 128, 128>}, {pipeline_mode = #tpu.pipeline_mode<synchronous>, transform_indices = @transform_5, window_bounds = array<i64: 1, 128>}, {pipeline_mode = #tpu.pipeline_mode<synchronous>, transform_indices = @transform_6, window_bounds = array<i64: 128, 128>}, {transform_indices = @transform_7, window_bounds = array<i64: 1000, 128>}]} {
    %get3A = arith.constant 0 : index
    %get3A_0 = arith.constant 0 : index
    %get3A_1 = arith.constant 0 : index
    %get3A_2 = vector.load %arg1[%get3A, %get3A_0, %get3A_1] : memref<1x1000x128xf32, #tpu.memory_space<vmem>>, vector<1x1000x128xf32>
    %get3A_3 = vector.shape_cast %get3A_2 : vector<1x1000x128xf32> to vector<1000x128xf32>
    %get3A_4 = arith.constant 0 : index
    %get3A_5 = arith.constant 0 : index
    %get3A_6 = arith.constant 0 : index
    %get3A_7 = vector.load %arg2[%get3A_4, %get3A_5, %get3A_6] : memref<1x1000x128xf32, #tpu.memory_space<vmem>>, vector<1x1000x128xf32>
    %get3A_8 = vector.shape_cast %get3A_7 : vector<1x1000x128xf32> to vector<1000x128xf32>
    %add3A = arith.addf %get3A_3, %get3A_8 : vector<1000x128xf32>
    %get3A_9 = arith.constant 0 : index
    %get3A_10 = arith.constant 0 : index
    %get3A_11 = vector.load %arg4[%get3A_9, %get3A_10] : memref<1000x1xf32, #tpu.memory_space<vmem>>, vector<1000x1xf32>
    %mul3A = vector.broadcast %get3A_11 : vector<1000x1xf32> to vector<1000x128xf32>
    %mul3A_12 = arith.mulf %add3A, %mul3A : vector<1000x128xf32>
    %get3A_13 = arith.constant 0 : index
    %get3A_14 = arith.constant 0 : index
    %get3A_15 = vector.load %arg5[%get3A_13, %get3A_14] : memref<128x128xf32, #tpu.memory_space<vmem>>, vector<128x128xf32>
    %dot_general3A = arith.constant dense<0.000000e+00> : vector<1000x128xf32>
    %dot_general3A_16 = tpu.matmul %mul3A_12, %get3A_15, %dot_general3A {dimension_numbers = #tpu.dot_dimension_numbers<[1], [0], [0], [1], [0, 0, 1, 1], [], []>, transpose_lhs_hint = false} : vector<1000x128xf32>, vector<128x128xf32>, vector<1000x128xf32> -> vector<1000x128xf32>
    %get3A_17 = arith.constant 0 : index
    %get3A_18 = arith.constant 0 : index
    %get3A_19 = vector.load %arg3[%get3A_17, %get3A_18] : memref<1000x128xf32, #tpu.memory_space<vmem>>, vector<1000x128xf32>
    %get3A_20 = arith.constant 0 : index
    %get3A_21 = arith.constant 0 : index
    %get3A_22 = vector.load %arg7[%get3A_20, %get3A_21] : memref<128x128xf32, #tpu.memory_space<vmem>>, vector<128x128xf32>
    %dot_general3A_23 = arith.constant dense<0.000000e+00> : vector<1000x128xf32>
    %dot_general3A_24 = tpu.matmul %get3A_19, %get3A_22, %dot_general3A_23 {dimension_numbers = #tpu.dot_dimension_numbers<[1], [0], [0], [1], [0, 0, 1, 1], [], []>, transpose_lhs_hint = false} : vector<1000x128xf32>, vector<128x128xf32>, vector<1000x128xf32> -> vector<1000x128xf32>
    %add3A_25 = arith.addf %dot_general3A_16, %dot_general3A_24 : vector<1000x128xf32>
    %get3A_26 = arith.constant 0 : index
    %get3A_27 = arith.constant 0 : index
    %get3A_28 = vector.load %arg6[%get3A_26, %get3A_27] : memref<1x128xf32, #tpu.memory_space<vmem>>, vector<1x128xf32>
    %add3A_29 = vector.broadcast %get3A_28 : vector<1x128xf32> to vector<1000x128xf32>
    %add3A_30 = arith.addf %add3A_25, %add3A_29 : vector<1000x128xf32>
    %max3A = arith.constant 0.000000e+00 : f32
    %max3A_31 = vector.broadcast %max3A : f32 to vector<1000x128xf32>
    %max3A_32 = arith.maximumf %add3A_30, %max3A_31 : vector<1000x128xf32>
    %swap3A = arith.constant 0 : index
    %swap3A_33 = arith.constant 0 : index
    %swap3A_34 = vector.load %arg8[%swap3A, %swap3A_33] : memref<1000x128xf32, #tpu.memory_space<vmem>>, vector<1000x128xf32>
    tpu.vector_store %arg8[%swap3A, %swap3A_33], %max3A_32 {strides = array<i32>} : memref<1000x128xf32, #tpu.memory_space<vmem>>, vector<1000x128xf32>,
    return
  }
  func.func @transform_0(%arg0: i32) -> (i32, i32, i32) {
    %c0_i32 = arith.constant 0 : i32
    %c0_i32_0 = arith.constant 0 : i32
    %c0_i32_1 = arith.constant 0 : i32
    return %c0_i32, %arg0, %c0_i32_0 : i32, i32, i32
  }
  func.func @transform_1(%arg0: i32) -> (i32, i32, i32) {
    %c1_i32 = arith.constant 1 : i32
    %c0_i32 = arith.constant 0 : i32
    %c0_i32_0 = arith.constant 0 : i32
    return %c1_i32, %arg0, %c0_i32 : i32, i32, i32
  }
  func.func @transform_2(%arg0: i32) -> (i32, i32) {
    %c0_i32 = arith.constant 0 : i32
    %c0_i32_0 = arith.constant 0 : i32
    return %arg0, %c0_i32 : i32, i32
  }
  func.func @transform_3(%arg0: i32) -> (i32, i32) {
    %c0_i32 = arith.constant 0 : i32
    %c0_i32_0 = arith.constant 0 : i32
    return %arg0, %c0_i32 : i32, i32
  }
  func.func @transform_4(%arg0: i32) -> (i32, i32) {
    %c0_i32 = arith.constant 0 : i32
    %c0_i32_0 = arith.constant 0 : i32
    %c0_i32_1 = arith.constant 0 : i32
    return %c0_i32, %c0_i32_0 : i32, i32
  }
  func.func @transform_5(%arg0: i32) -> (i32, i32) {
    %c0_i32 = arith.constant 0 : i32
    %c0_i32_0 = arith.constant 0 : i32
    %c0_i32_1 = arith.constant 0 : i32
    return %c0_i32, %c0_i32_0 : i32, i32
  }
  func.func @transform_6(%arg0: i32) -> (i32, i32) {
    %c0_i32 = arith.constant 0 : i32
    %c0_i32_0 = arith.constant 0 : i32
    %c0_i32_1 = arith.constant 0 : i32
    return %c0_i32, %c0_i32_0 : i32, i32
  }
  func.func @transform_7(%arg0: i32) -> (i32, i32) {
    %c0_i32 = arith.constant 0 : i32
    %c0_i32_0 = arith.constant 0 : i32
    return %arg0, %c0_i32 : i32, i32
  }
}

module attributes {stable_mosaic.version = 14 : i64} {
  func.func @body(%arg0: i32, %arg1: memref<1x1000x128xf32, #tpu.memory_space<vmem>>, %arg2: memref<1x1000x128xf32, #tpu.memory_space<vmem>>, %arg3: memref<1000x128xf32, #tpu.memory_space<vmem>>, %arg4: memref<1000x1xf32, #tpu.memory_space<vmem>>, %arg5: memref<128x128xf32, #tpu.memory_space<vmem>>, %arg6: memref<1x128xf32, #tpu.memory_space<vmem>>, %arg7: memref<128x128xf32, #tpu.memory_space<vmem>>, %arg8: memref<1000x128xf32, #tpu.memory_space<vmem>>) attributes {dimension_semantics = [#tpu.dimension_semantics<arbitrary>], iteration_bounds = array<i64: 10>, scalar_prefetch = 0 : i64, scratch_operands = 0 : i64, tpu.core_type = #tpu.core_type<tc>, window_params = [{transform_indices = @transform_0, window_bounds = array<i64: 1, 1000, 128>}, {transform_indices = @transform_1, window_bounds = array<i64: 1, 1000, 128>}, {transform_indices = @transform_2, window_bounds = array<i64: 1000, 128>}, {transform_indices = @transform_3, window_bounds = array<i64: 1000, 1>}, {pipeline_mode = #tpu.pipeline_mode<synchronous>, transform_indices = @transform_4, window_bounds = array<i64: 128, 128>}, {pipeline_mode = #tpu.pipeline_mode<synchronous>, transform_indices = @transform_5, window_bounds = array<i64: 1, 128>}, {pipeline_mode = #tpu.pipeline_mode<synchronous>, transform_indices = @transform_6, window_bounds = array<i64: 128, 128>}, {transform_indices = @transform_7, window_bounds = array<i64: 1000, 128>}]} {
    %get3A = arith.constant 0 : index
    %get3A_0 = arith.constant 0 : index
    %get3A_1 = arith.constant 0 : index
    %get3A_2 = vector.load %arg1[%get3A, %get3A_0, %get3A_1] : memref<1x1000x128xf32, #tpu.memory_space<vmem>>, vector<1x1000x128xf32>
    %get3A_3 = vector.shape_cast %get3A_2 : vector<1x1000x128xf32> to vector<1000x128xf32>
    %get3A_4 = arith.constant 0 : index
    %get3A_5 = arith.constant 0 : index
    %get3A_6 = arith.constant 0 : index
    %get3A_7 = vector.load %arg2[%get3A_4, %get3A_5, %get3A_6] : memref<1x1000x128xf32, #tpu.memory_space<vmem>>, vector<1x1000x128xf32>
    %get3A_8 = vector.shape_cast %get3A_7 : vector<1x1000x128xf32> to vector<1000x128xf32>
    %add3A = arith.addf %get3A_3, %get3A_8 : vector<1000x128xf32>
    %get3A_9 = arith.constant 0 : index
    %get3A_10 = arith.constant 0 : index
    %get3A_11 = vector.load %arg4[%get3A_9, %get3A_10] : memref<1000x1xf32, #tpu.memory_space<vmem>>, vector<1000x1xf32>
    %mul3A = vector.broadcast %get3A_11 : vector<1000x1xf32> to vector<1000x128xf32>
    %mul3A_12 = arith.mulf %add3A, %mul3A : vector<1000x128xf32>
    %get3A_13 = arith.constant 0 : index
    %get3A_14 = arith.constant 0 : index
    %get3A_15 = vector.load %arg5[%get3A_13, %get3A_14] : memref<128x128xf32, #tpu.memory_space<vmem>>, vector<128x128xf32>
    %dot_general3A = arith.constant dense<0.000000e+00> : vector<1000x128xf32>
    %dot_general3A_16 = tpu.matmul %mul3A_12, %get3A_15, %dot_general3A {dimension_numbers = #tpu.dot_dimension_numbers<[1], [0], [0], [1], [0, 0, 1, 1], [], []>, transpose_lhs_hint = false} : vector<1000x128xf32>, vector<128x128xf32>, vector<1000x128xf32> -> vector<1000x128xf32>
    %get3A_17 = arith.constant 0 : index
    %get3A_18 = arith.constant 0 : index
    %get3A_19 = vector.load %arg3[%get3A_17, %get3A_18] : memref<1000x128xf32, #tpu.memory_space<vmem>>, vector<1000x128xf32>
    %get3A_20 = arith.constant 0 : index
    %get3A_21 = arith.constant 0 : index
    %get3A_22 = vector.load %arg7[%get3A_20, %get3A_21] : memref<128x128xf32, #tpu.memory_space<vmem>>, vector<128x128xf32>
    %dot_general3A_23 = arith.constant dense<0.000000e+00> : vector<1000x128xf32>
    %dot_general3A_24 = tpu.matmul %get3A_19, %get3A_22, %dot_general3A_23 {dimension_numbers = #tpu.dot_dimension_numbers<[1], [0], [0], [1], [0, 0, 1, 1], [], []>, transpose_lhs_hint = false} : vector<1000x128xf32>, vector<128x128xf32>, vector<1000x128xf32> -> vector<1000x128xf32>
    %add3A_25 = arith.addf %dot_general3A_16, %dot_general3A_24 : vector<1000x128xf32>
    %get3A_26 = arith.constant 0 : index
    %get3A_27 = arith.constant 0 : index
    %get3A_28 = vector.load %arg6[%get3A_26, %get3A_27] : memref<1x128xf32, #tpu.memory_space<vmem>>, vector<1x128xf32>
    %add3A_29 = vector.broadcast %get3A_28 : vector<1x128xf32> to vector<1000x128xf32>
    %add3A_30 = arith.addf %add3A_25, %add3A_29 : vector<1000x128xf32>
    %swap3A = arith.constant 0 : index
    %swap3A_31 = arith.constant 0 : index
    %swap3A_32 = vector.load %arg8[%swap3A, %swap3A_31] : memref<1000x128xf32, #tpu.memory_space<vmem>>, vector<1000x128xf32>
    tpu.vector_store %arg8[%swap3A, %swap3A_31], %add3A_30 {strides = array<i32>} : memref<1000x128xf32, #tpu.memory_space<vmem>>, vector<1000x128xf32>,
    return
  }
  func.func @transform_0(%arg0: i32) -> (i32, i32, i32) {
    %c0_i32 = arith.constant 0 : i32
    %c0_i32_0 = arith.constant 0 : i32
    %c0_i32_1 = arith.constant 0 : i32
    return %c0_i32, %arg0, %c0_i32_0 : i32, i32, i32
  }
  func.func @transform_1(%arg0: i32) -> (i32, i32, i32) {
    %c1_i32 = arith.constant 1 : i32
    %c0_i32 = arith.constant 0 : i32
    %c0_i32_0 = arith.constant 0 : i32
    return %c1_i32, %arg0, %c0_i32 : i32, i32, i32
  }
  func.func @transform_2(%arg0: i32) -> (i32, i32) {
    %c0_i32 = arith.constant 0 : i32
    %c0_i32_0 = arith.constant 0 : i32
    return %arg0, %c0_i32 : i32, i32
  }
  func.func @transform_3(%arg0: i32) -> (i32, i32) {
    %c0_i32 = arith.constant 0 : i32
    %c0_i32_0 = arith.constant 0 : i32
    return %arg0, %c0_i32 : i32, i32
  }
  func.func @transform_4(%arg0: i32) -> (i32, i32) {
    %c0_i32 = arith.constant 0 : i32
    %c0_i32_0 = arith.constant 0 : i32
    %c0_i32_1 = arith.constant 0 : i32
    return %c0_i32, %c0_i32_0 : i32, i32
  }
  func.func @transform_5(%arg0: i32) -> (i32, i32) {
    %c0_i32 = arith.constant 0 : i32
    %c0_i32_0 = arith.constant 0 : i32
    %c0_i32_1 = arith.constant 0 : i32
    return %c0_i32, %c0_i32_0 : i32, i32
  }
  func.func @transform_6(%arg0: i32) -> (i32, i32) {
    %c0_i32 = arith.constant 0 : i32
    %c0_i32_0 = arith.constant 0 : i32
    %c0_i32_1 = arith.constant 0 : i32
    return %c0_i32, %c0_i32_0 : i32, i32
  }
  func.func @transform_7(%arg0: i32) -> (i32, i32) {
    %c0_i32 = arith.constant 0 : i32
    %c0_i32_0 = arith.constant 0 : i32
    return %arg0, %c0_i32 : i32, i32
  }
}

</mosaic_0001>

<sc_bundles>
// kernel: kernel.11.cloned.1.call-start
scs
__scs_entry_jumppad:
0x0: {  	(pc) =	sbr.rel $0x88, $3  }
0x1: {  	(tag) =	ssettag $0x0;
	lr =	simm.s32 $0x1  }
0x2: {  	[smem:$0x3F96] =	sst lr;
	_ =	strace $0xD0000000  }
0x3: {  	_ = 	snop  }
0x4: {  	_ = 	snop  }
0x5: {  	_ = 	snop  }
0x6: {  	_ = 	snop  }
0x7: {  	_ = 	snop  }
__scs_overlays_trampoline_lowered:
0x8: {  	[smem:$0x3FA5] =	sst s0  }
0x9: {  	[smem:$0x3FA6] =	sst s1  }
0xa: {  	[smem:$0x3FA7] =	sst s2  }
0xb: {  	[smem:$0x3FA8] =	sst s3  }
0xc: {  	[smem:$0x3FA9] =	sst s4  }
0xd: {  	[smem:$0x3FAA] =	sst s5  }
0xe: {  	[smem:$0x3FAB] =	sst s6  }
0xf: {  	[smem:$0x3FAC] =	sst s7  }
0x10: {  	[smem:$0x3FAD] =	sst s8  }
0x11: {  	[smem:$0x3FAE] =	sst s9;
	s0 =	simm.s32 @!p0 $0x0  }
0x12: {  	s1 =	sld [smem:$0x3F94];
	s0 =	simm.s32 @p0 $0x1  }
0x13: {  	[smem:$0x3FAF] =	sst s0;
	s0 =	simm.s32 @!p1 $0x0  }
0x14: {  	s2 =	sld [smem:$0x3F93];
	s0 =	simm.s32 @p1 $0x1  }
0x15: {  	[smem:$0x3FB0] =	sst s0;
	s0 =	simm.s32 @!p2 $0x0  }
0x16: {  	s3 =	sld [smem:$0x3FDB];
	s0 =	simm.s32 @p2 $0x1  }
0x17: {  	s4 =	simm.s32 $0x1BF5;
	[smem:$0x3FB2] =	sst s0  }
0x18: {  	s0 =	sld [smem:$0x3F95];
	_ =	swait.ge [sflag:s4], $0x0  }
0x19: {  	s7 =	sld [smem:$0x3F96]  }
0x1a: {  	s8 =	sadd.s32 $0xFFFFE003, lr  }
0x1b: {  	s9 =	sadd.s32 $0xFFFFFEF7, lr;
	s5 =	simm.s32 $0xFFFFFFFF;
	p2 =	slt.u32 s8, $0xFFFFF086  }
0x1c: {  	p1 =	slt.u32 s9, $0xF7A;
	s5 =	simm.s32 @!p2 $0x0  }
0x1d: {  	s5 =	simm.s32 @p1 $0x1;
	p0 =	seq.s32 s7, s2  }
0x1e: {  	s7 =	smul.u32 @!p0 $0xF7A, s2;
	p2 =	seq.s32 @!p0 s5, $0x0  }
0x1f: {  	s9 =	smul.u32 $0xF7A, s1;
	s8 =	simm.s32 @!p0 $0x1BF5;
	p2 =	por !p2, p0  }
0x20: {  	[sflag:s8] =	ssyncset.s32 @!p0 $0xFFFFF086;
	s6 =	sadd.s32 @!p0 s3, s7;
	s7 =	simm.s32 @!p0 $0x108  }
0x21: {  	s3 =	sadd.s32 s3, s9;
	s6 =	sadd.s32 @!p0 $0x88, s6;
	s7 =	simm.s32 @p2 $0x1082  }
0x22: {  	[simem:s7], [sflag:s8] =	dma.local @!p0 [hbm:s6], $0xF7A  }
0x23: {  	s9 =	sor.u32 $0xD0000000, s2;
	s6 =	simm.s32 $0x108;
	_ =	swait.ge @!p0 [sflag:s8], $0x0  }
0x24: {  	s3 =	sadd.s32 $0x88, s3;
	s6 =	simm.s32 @!p1 $0x1082;
	[sflag:s4] =	ssyncset.s32 $0xFFFFF086  }
0x25: {  	[simem:s6], [sflag:s4] =	dma.local [hbm:s3], $0xF7A  }
0x26: {  	[smem:$0x3F96] =	sst s1;
	(tag) =	ssettag s2;
	_ =	strace s9  }
0x27: {  	s1 =	sld [smem:$0x3FA6]  }
0x28: {  	s2 =	sld [smem:$0x3FA7]  }
0x29: {  	s4 =	sld [smem:$0x3FA9]  }
0x2a: {  	p0 =	seq.s32 s5, $0x0;
	s5 =	sld [smem:$0x3FAA]  }
0x2b: {  	s6 =	sld [smem:$0x3FAB]  }
0x2c: {  	s7 =	sld [smem:$0x3FAC]  }
0x2d: {  	s3 =	simm.s32 $0x108;
	s8 =	sld [smem:$0x3FAD]  }
0x2e: {  	s3 =	simm.s32 @!p0 $0x1082;
	s9 =	sld [smem:$0x3FAE]  }
0x2f: {  	lr =	sadd.s32 s0, s3;
	s0 =	sld [smem:$0x3FA5]  }
0x30: {  	s3 =	sld [smem:$0x3FA8]  }
0x31: {  	[smem:$0x3FB1] =	sst s10  }
0x32: {  	s10 =	sld [smem:$0x3FAF];
	_ =	sdelay $0x3  }
0x33: {  	p0 =	seq.s32 s10, $0x1;
	s10 =	sld [smem:$0x3FB1];
	_ =	sdelay $0x3  }
0x34: {  	[smem:$0x3FB1] =	sst s10  }
0x35: {  	s10 =	sld [smem:$0x3FB0];
	_ =	sdelay $0x3  }
0x36: {  	p1 =	seq.s32 s10, $0x1;
	s10 =	sld [smem:$0x3FB1];
	_ =	sdelay $0x3  }
0x37: {  	[smem:$0x3FB1] =	sst s10  }
0x38: {  	s10 =	sld [smem:$0x3FB2]  }
0x39: {  	_ = 	snop;
	(pc) =	sbr.ind lr, $3  }
0x3a: {  	_ = 	snop  }
0x3b: {  	_ = 	snop  }
0x3c: {  	p2 =	seq.s32 s10, $0x1;
	s10 =	sld [smem:$0x3FB1]  }
0x3d: {  	_ =	shalt  }
0x3e: {  	_ =	shalt  }
0x3f: {  	_ =	shalt  }
0x40: {  	_ =	shalt  }
0x41: {  	_ =	shalt  }
0x42: {  	_ =	shalt  }
0x43: {  	_ =	shalt  }
0x44: {  	_ =	shalt  }
0x45: {  	_ =	shalt  }
0x46: {  	_ =	shalt  }
0x47: {  	_ =	shalt  }
0x48: {  	_ =	shalt  }
0x49: {  	_ =	shalt  }
0x4a: {  	_ =	shalt  }
0x4b: {  	_ =	shalt  }
0x4c: {  	_ =	shalt  }
0x4d: {  	_ =	shalt  }
0x4e: {  	_ =	shalt  }
0x4f: {  	_ =	shalt  }
0x50: {  	_ =	shalt  }
0x51: {  	_ =	shalt  }
0x52: {  	_ =	shalt  }
0x53: {  	_ =	shalt  }
0x54: {  	_ =	shalt  }
0x55: {  	_ =	shalt  }
0x56: {  	_ =	shalt  }
0x57: {  	_ =	shalt  }
0x58: {  	_ =	shalt  }
0x59: {  	_ =	shalt  }
0x5a: {  	_ =	shalt  }
0x5b: {  	_ =	shalt  }
0x5c: {  	_ =	shalt  }
0x5d: {  	_ =	shalt  }
0x5e: {  	_ =	shalt  }
0x5f: {  	_ =	shalt  }
0x60: {  	_ =	shalt  }
0x61: {  	_ =	shalt  }
0x62: {  	_ =	shalt  }
0x63: {  	_ =	shalt  }
0x64: {  	_ =	shalt  }
0x65: {  	_ =	shalt  }
0x66: {  	_ =	shalt  }
0x67: {  	_ =	shalt  }
0x68: {  	_ =	shalt  }
0x69: {  	_ =	shalt  }
0x6a: {  	_ =	shalt  }
0x6b: {  	_ =	shalt  }
0x6c: {  	_ =	shalt  }
0x6d: {  	_ =	shalt  }
0x6e: {  	_ =	shalt  }
0x6f: {  	_ =	shalt  }
0x70: {  	_ =	shalt  }
0x71: {  	_ =	shalt  }
0x72: {  	_ =	shalt  }
0x73: {  	_ =	shalt  }
0x74: {  	_ =	shalt  }
0x75: {  	_ =	shalt  }
0x76: {  	_ =	shalt  }
0x77: {  	_ =	shalt  }
0x78: {  	_ =	shalt  }
0x79: {  	_ =	shalt  }
0x7a: {  	_ =	shalt  }
0x7b: {  	_ =	shalt  }
0x7c: {  	_ =	shalt  }
0x7d: {  	_ =	shalt  }
0x7e: {  	_ =	shalt  }
0x7f: {  	_ =	shalt  }
0x80: {  	_ =	shalt  }
0x81: {  	_ =	shalt  }
0x82: {  	_ =	shalt  }
0x83: {  	_ =	shalt  }
0x84: {  	_ =	shalt  }
0x85: {  	_ =	shalt  }
0x86: {  	_ =	shalt  }
0x87: {  	_ =	shalt  }
.Lfunc_end0:
.L_simem_size_0:
called_computation.1_lowered:
.L_overlay_start_0:
0x88: {  	s2 =	sld [smem:$0x3FD9]  }
0x89: {  	s3 =	sld [smem:$0x3FFE];
	_ =	sdelay $0x1  }
0x8a: {  	s1 =	srdreg.scid  }
0x8b: {  	s0 =	sand.u32 $0x1, s1  }
0x8c: {  	s17 =	sshll.u32 s0, $0xA;
	s2 =	sadd.s32 s3, s2  }
0x8d: {  	s2 =	sadd.s32 s2, s17  }
0x8e: {  	[smem:$0x3FBD] =	sst s2  }
0x8f: {  	_ = 	snop  }
0x90: {  	s2 =	sld [smem:$0x3FD0];
	(tm) =	ssettm $0x1  }
0x91: {  	s18 =	sld [smem:$0x3FFB];
	_ =	sdelay $0x3  }
0x92: {  	_ =	strace s18  }
0x93: {  	s3 =	sld [smem:$0x3FFC];
	_ =	sdelay $0x3  }
0x94: {  	_ =	strace s3  }
0x95: {  	s3 =	sld [smem:$0x3FFD];
	_ =	sdelay $0x3  }
0x96: {  	_ =	strace s3  }
0x97: {  	_ =	strace $0x8FFFFFFF  }
0x98: {  	s19 =	sld [smem:$0x3FDB];
	_ =	sdelay $0x1  }
0x99: {  	s4 =	simm.s32 $_scs_section_size  }
0x9a: {  	s5 =	simm.s32 $_size__tile_overlayer_lowered;
	s6 =	simm.s32 $_tile_overlayer_lowered  }
0x9b: {  	s22 =	simm.s32 $0x1BFF;
	s21 =	sshll.u32 s6, $0x1;
	s3 =	sadd.s32 s4, s19  }
0x9c: {  	s7 =	simm.s32 $0x0;
	s20 =	sshll.u32 s5, $0x1;
	s5 =	sadd.s32 s21, s3  }
0x9d: {  	[timem:s7], [sflag:s22] =	dma.local [hbm:s5], s20  }
0x9e: {  	_ =	swait.ge [sflag:s22], s20  }
0x9f: {  	s4 =	ssub.s32 $0x0, s20;
	[sflag:s22] =	ssyncset.done $0x0  }
0xa0: {  	[sflag:s22] =	ssyncadd.s32 s4;
	_ =	sdelay $0x1  }
0xa1: {  	s23 =	simm.s32 $0x1B8B  }
0xa2: {  	_ =	swait.ge [sflag:s23], $0x1  }
0xa3: {  	[sflag:s23] =	ssyncset.done $0x0  }
0xa4: {  	s25 =	simm.s32 $0x1B8E;
	s24 =	sld [smem:$0x3FFE];
	[sflag:s23] =	ssyncadd.s32 $0xFFFFFFFF  }
0xa5: {  	s26 =	simm.s32 $execute0_lowered;
	[smem:$0x3FD2] =	sst s25  }
0xa6: {  	s5 =	sshll.u32 s26, $0x1;
	_ =	strace $0x80000049;
	[dreg:$0x1] =	wrdreg $0xFFFFFFFF  }
0xa7: {  	s28 =	simm.s32 $_size_execute0_lowered;
	s3 =	sadd.s32 s3, s5;
	[dreg:$0x0] =	wrdreg $0x0  }
0xa8: {  	s5 =	sshll.u32 s28, $0x1;
	[dreg:$0x2] =	wrdreg s3  }
0xa9: {  	[dreg:$0x3] =	wrdreg s5  }
0xaa: {  	[dreg:$0x4] =	wrdreg $0xC0  }
0xab: {  	_ =	task [dreg:s7], $0x5FFFF  }
0xac: {  	[dreg:$0x1] =	wrdreg $0xFFFFFFFF  }
0xad: {  	[dreg:$0x0] =	wrdreg $0x60  }
0xae: {  	[dreg:$0x2] =	wrdreg s2  }
0xaf: {  	[dreg:$0x3] =	wrdreg s24  }
0xb0: {  	[dreg:$0x4] =	wrdreg $0xA9000  }
0xb1: {  	[dreg:$0x5] =	wrdreg $0x9  }
0xb2: {  	_ =	task.clear_ibuf [dreg:s7], $0x6FFFF;
	_ =	strace $0x90000049  }
0xb3: {  	s29 =	simm.s32 $0x9;
	_ =	strace $0x8000004B  }
0xb4: {  	_ =	swait.ge [sflag:s29], $0x1  }
0xb5: {  	[sflag:s29] =	ssyncadd.s32 $0xFFFFFFFF  }
0xb6: {  	_ =	strace $0x9000004B  }
0xb7: {  	_ =	sfence  }
0xb8: {  	s30 =	sld [smem:$0x0];
	_ =	sdelay $0x2  }
0xb9: {  	s31 =	sshll.u32 s1, $0xD;
	s1 =	sshrl.u32 s1, $0x2  }
0xba: {  	s3 =	sand.u32 $0x4000, s31;
	s1 =	sadd.s32 s1, s30  }
0xbb: {  	s0 =	sor.u32 s3, s0;
	s1 =	sshll.u32 s1, $0x11  }
0xbc: {  	s0 =	sor.u32 s1, s0  }
0xbd: {  	s0 =	sadd.s32 $0x8F2B, s0  }
0xbe: {  	[sflag:s0] =	ssyncadd.remote.s32 $0x1  }
0xbf: {  	_ =	sfence.sel $0xFFFF  }
0xc0: {  	[dreg:$0x0] =	wrdreg $0xFFFFFFFF;
	(pc) =	sbr.abs _section_cstart, $3  }
0xc1: {  	[dreg:$0x1] =	wrdreg $0xFFFFFFFF  }
0xc2: {  	_ =	task.clear_ibuf [dreg:s7], $0x2FFFF;
	_ =	strace $0x9FFFFFFF  }
0xc3: {  	(tm) =	ssettm $0x7FFFFFFF  }
tec
execute0_lowered:
.L_overlay_start_1:
0x0: {  	(tag) =	ssettag $0x1  }
0x1: {  	s2 =	srdreg.scid;
	s1 =	rddreg [dreg:$0x0]  }
0x2: {  	s0 =	stileid.u32;
	s6 =	rddreg [dreg:$0x1]  }
0x3: {  	s3 =	rddreg [dreg:$0x2];
	s4 =	simm.s32 $0x0;
	s17 =	simm.s32 $0x2900  }
0x4: {  	s18 =	simm.s32 $0x2880;
	s19 =	simm.s32 $0x80;
	s20 =	simm.s32 $0x6900  }
0x5: {  	s21 =	simm.s32 $0x3;
	s22 =	simm.s32 $0x1;
	s8 =	smul.u32 $0x14000, s0  }
0x6: {  	s5 =	sand.u32 $0x1, s2;
	s23 =	sshll.u32 s0, $0x1;
	s25 =	smul.u32 $0x50000, s0  }
0x7: {  	[smem:$0x7FF] =	sst s4;
	s12 =	sadd.s32 $0x2E00, s6;
	s13 =	smul.u32 $0x5000, s0  }
0x8: {  	s31 =	sshll.u32 s0, $0x6;
	s2 =	sor.u32 s5, s23;
	s9 =	smul.u32 $0x140000, s5  }
0x9: {  	_ =	strace $0x8000004A;
	s26 =	ssub.s32 $0x2, s5;
	s15 =	smul.u32 $0x2800, s5  }
0xa: {  	s23 =	simm.s32 $0x4;
	s7 =	smul.u32 $0x2800, s2;
	s11 =	sshrl.u32 s8, $0x3  }
0xb: {  	s14 =	sshrl.u32 s26, $0x1;
	s8 =	sadd.s32 s8, s9;
	s24 =	sadd.s32 s11, s6  }
0xc: {  	s11 =	sshrl.u32 s25, $0x2;
	s14 =	ssub.s32 s26, s14;
	s28 =	sadd.s32 s15, s13  }
0xd: {  	s25 =	simm.s32 $0x2780;
	s26 =	simm.s32 $0x0;
	s7 =	sshrl.u32 s7, $0x3  }
0xe: {  	s8 =	sshrl.u32 s8, $0x3;
	s16 =	sadd.s32 s11, s3;
	s9 =	smax.u32 s14, $0x1  }
0xf: {  	s13 =	sor.u32 $0x80, s28;
	s29 =	sor.u32 $0x100, s28;
	s14 =	sor.u32 $0x1C05, s31  }
0x10: {  	s10 =	sadd.s32 s7, s6;
	s8 =	sadd.s32 s8, s6;
	s6 =	sadd.s32 $0x17400, s24  }
0x11: {  	s7 =	sadd.s32 s12, s7;
	s13 =	sshrl.u32 s13, $0x3;
	s30 =	sshrl.u32 s29, $0x3  }
0x12: {  	s15 =	sshrl.u32 s16, $0x3;
	s16 =	simm.s32 $0x2800;
	s24 =	simm.s32 $0x2  }
0x13: {  	s5 =	sadd.s32 $0xCE00, s10;
	s8 =	sadd.s32 $0x3F400, s8;
	s10 =	sadd.s32 $0x4F0, s7  }
0x14: {  	s11 =	sadd.s32 s13, s12;
	s12 =	sadd.s32 s30, s12;
	s13 =	simm.s32 $0x5  }
.LBB2_1:
0x15: {  	[tilespmem:s4], [sflag:$0x5] =	stream.linear.gather [hbm4b:s5+s4], $0x2800, $0x38;
	[tilespmem:$0x1E900] =	vst v63  }
0x16: {  	_ =	swait.ge [sflag:s13], $0x2800  }
0x17: {  	[sflag:s13] =	ssyncset.done $0x0  }
0x18: {  	[sflag:s13] =	ssyncadd.s32 $0xFFFFD800  }
0x19: {  	[spmem:s15], [sflag:s14] =	dma.local [hbm:s6], $0x2800  }
0x1a: {  	_ =	swait.ge [sflag:s13], $0x2800  }
0x1b: {  	[sflag:s13] =	ssyncset.done $0x0  }
0x1c: {  	[sflag:s13] =	ssyncadd.s32 $0xFFFFD800  }
0x1d: {  	[bflag:$0x0] =	sbarrier.arrive $0xFFFF  }
0x1e: {  	[tilespmem:s16], [sflag:$0x3] =	stream.linear.gather [hbm4b:s7+s4], $0x80, $0x38;
	[tilespmem:$0x1E900] =	vst v63  }
0x1f: {  	_ = 	snop  }
0x20: {  	[tilespmem:s17], [sflag:$0x1] =	stream.indirect.gather [hbm4b:s1+s19], $0x80, s4, s19, $0xb8;
	[tilespmem:$0x1E900] =	vst v63  }
0x21: {  	s28 =	sadd.s32 $0x0, s11  }
0x22: {  	[tilespmem:s18], [sflag:$0x4] =	stream.linear.gather [hbm4b:s28+s4], $0x80, $0x38;
	[tilespmem:$0x1E900] =	vst v63  }
0x23: {  	_ = 	snop  }
0x24: {  	[tilespmem:s20], [sflag:$0x2] =	stream.indirect.gather [hbm4b:s1+s19], $0x80, s19, s19, $0xb8;
	[tilespmem:$0x1E900] =	vst v63  }
0x25: {  	_ =	swait.ge [sflag:s21], $0x80  }
0x26: {  	[sflag:s21] =	ssyncset.done $0x0  }
0x27: {  	[sflag:s21] =	ssyncadd.s32 $0xFFFFFF80  }
0x28: {  	_ =	swait.ge [sflag:s22], $0x4000  }
0x29: {  	[sflag:s22] =	ssyncset.done $0x0  }
0x2a: {  	[sflag:s22] =	ssyncadd.s32 $0xFFFFC000  }
0x2b: {  	[spmem:s3] =	stream.indirect.scatter.add.f32 [tilespmem:s17], [sflag:$0x5], $0x80, s16, s19, $0xb8;
	[tilespmem:$0x1E900] =	vst v63  }
0x2c: {  	_ =	swait.ge [sflag:s13], $0x4000  }
0x2d: {  	[sflag:s13] =	ssyncset.done $0x0  }
0x2e: {  	s28 =	sadd.s32 $0x0, s12;
	[sflag:s13] =	ssyncadd.s32 $0xFFFFC000  }
0x2f: {  	[tilespmem:s16], [sflag:$0x3] =	stream.linear.gather [hbm4b:s28+s4], $0x80, $0x38;
	[tilespmem:$0x1E900] =	vst v63  }
0x30: {  	s28 =	simm.s32 $0x100  }
0x31: {  	[tilespmem:s17], [sflag:$0x1] =	stream.indirect.gather [hbm4b:s1+s19], $0x80, s28, s19, $0xb8;
	[tilespmem:$0x1E900] =	vst v63  }
0x32: {  	_ =	swait.ge [sflag:s23], $0x80  }
0x33: {  	[sflag:s23] =	ssyncset.done $0x0  }
0x34: {  	[sflag:s23] =	ssyncadd.s32 $0xFFFFFF80  }
0x35: {  	_ =	swait.ge [sflag:s24], $0x4000  }
0x36: {  	[sflag:s24] =	ssyncset.done $0x0  }
0x37: {  	[sflag:s24] =	ssyncadd.s32 $0xFFFFC000  }
0x38: {  	[spmem:s3] =	stream.indirect.scatter.add.f32 [tilespmem:s20], [sflag:$0x5], $0x80, s18, s19, $0xb8;
	[tilespmem:$0x1E900] =	vst v63  }
0x39: {  	s30 =	simm.s32 $0x40;
	_ =	swait.ge [sflag:s13], $0x4000  }
0x3a: {  	s29 =	simm.s32 $0x180;
	s28 =	simm.s32 $0x20;
	[sflag:s13] =	ssyncset.done $0x0  }
.LBB2_2:
0x3b: {  	s31 =	sadd.s32 s28, s11  }
0x3c: {  	[sflag:s13] =	ssyncadd.s32 $0xFFFFC000;
	s2 =	smov.u32 s30;
	s0 =	sadd.s32 $0x20, s30  }
0x3d: {  	[tilespmem:s18], [sflag:$0x4] =	stream.linear.gather [hbm4b:s31+s4], $0x80, $0x38;
	[tilespmem:$0x1E900] =	vst v63  }
0x3e: {  	p0 =	sne.s32 s30, $0x4C0  }
0x3f: {  	[tilespmem:s20], [sflag:$0x2] =	stream.indirect.gather [hbm4b:s1+s19], $0x80, s29, s19, $0xb8;
	[tilespmem:$0x1E900] =	vst v63  }
0x40: {  	_ =	swait.ge [sflag:s21], $0x80  }
0x41: {  	[sflag:s21] =	ssyncset.done $0x0  }
0x42: {  	[sflag:s21] =	ssyncadd.s32 $0xFFFFFF80  }
0x43: {  	_ =	swait.ge [sflag:s22], $0x4000  }
0x44: {  	[sflag:s22] =	ssyncset.done $0x0  }
0x45: {  	[sflag:s22] =	ssyncadd.s32 $0xFFFFC000  }
0x46: {  	[spmem:s3] =	stream.indirect.scatter.add.f32 [tilespmem:s17], [sflag:$0x5], $0x80, s16, s19, $0xb8;
	[tilespmem:$0x1E900] =	vst v63  }
0x47: {  	_ =	swait.ge [sflag:s13], $0x4000  }
0x48: {  	[sflag:s13] =	ssyncset.done $0x0  }
0x49: {  	s30 =	sadd.s32 s28, s12;
	s28 =	smov.u32 s2;
	[sflag:s13] =	ssyncadd.s32 $0xFFFFC000  }
0x4a: {  	[tilespmem:s16], [sflag:$0x3] =	stream.linear.gather [hbm4b:s30+s4], $0x80, $0x38;
	[tilespmem:$0x1E900] =	vst v63  }
0x4b: {  	s2 =	sadd.s32 $0x80, s29  }
0x4c: {  	[tilespmem:s17], [sflag:$0x1] =	stream.indirect.gather [hbm4b:s1+s19], $0x80, s2, s19, $0xb8;
	[tilespmem:$0x1E900] =	vst v63  }
0x4d: {  	_ =	swait.ge [sflag:s23], $0x80  }
0x4e: {  	[sflag:s23] =	ssyncset.done $0x0  }
0x4f: {  	[sflag:s23] =	ssyncadd.s32 $0xFFFFFF80  }
0x50: {  	_ =	swait.ge [sflag:s24], $0x4000  }
.Ltmp0:
0x51: {  	[sflag:s24] =	ssyncset.done $0x0;
	(pc) =	sbr.rel @p0 .LBB2_2-.Ltmp0, $4  }
0x52: {  	[sflag:s24] =	ssyncadd.s32 $0xFFFFC000  }
0x53: {  	[spmem:s3] =	stream.indirect.scatter.add.f32 [tilespmem:s20], [sflag:$0x5], $0x80, s18, s19, $0xb8;
	[tilespmem:$0x1E900] =	vst v63  }
0x54: {  	_ =	swait.ge [sflag:s13], $0x4000  }
0x55: {  	s29 =	sadd.s32 $0x100, s29;
	s30 =	smov.u32 s0;
	[sflag:s13] =	ssyncset.done $0x0  }
0x56: {  	s0 =	sadd.s32 s28, s11;
	[sflag:s13] =	ssyncadd.s32 $0xFFFFC000  }
0x57: {  	[tilespmem:s18], [sflag:$0x4] =	stream.linear.gather [hbm4b:s0+s4], $0x80, $0x38;
	[tilespmem:$0x1E900] =	vst v63  }
0x58: {  	_ = 	snop  }
0x59: {  	[tilespmem:s20], [sflag:$0x2] =	stream.indirect.gather [hbm4b:s1+s19], $0x80, s29, s19, $0xb8;
	[tilespmem:$0x1E900] =	vst v63  }
0x5a: {  	_ =	swait.ge [sflag:s21], $0x80  }
0x5b: {  	[sflag:s21] =	ssyncset.done $0x0  }
0x5c: {  	[sflag:s21] =	ssyncadd.s32 $0xFFFFFF80  }
0x5d: {  	_ =	swait.ge [sflag:s22], $0x4000  }
0x5e: {  	[sflag:s22] =	ssyncset.done $0x0  }
0x5f: {  	[sflag:s22] =	ssyncadd.s32 $0xFFFFC000  }
0x60: {  	[spmem:s3] =	stream.indirect.scatter.add.f32 [tilespmem:s17], [sflag:$0x5], $0x80, s16, s19, $0xb8;
	[tilespmem:$0x1E900] =	vst v63  }
0x61: {  	_ =	swait.ge [sflag:s13], $0x4000  }
0x62: {  	[sflag:s13] =	ssyncset.done $0x0  }
0x63: {  	s30 =	sadd.s32 s28, s12;
	[sflag:s13] =	ssyncadd.s32 $0xFFFFC000  }
0x64: {  	[tilespmem:s16], [sflag:$0x3] =	stream.linear.gather [hbm4b:s30+s4], $0x80, $0x38;
	[tilespmem:$0x1E900] =	vst v63  }
0x65: {  	s31 =	sadd.s32 $0x80, s29  }
0x66: {  	[tilespmem:s17], [sflag:$0x1] =	stream.indirect.gather [hbm4b:s1+s19], $0x80, s31, s19, $0xb8;
	[tilespmem:$0x1E900] =	vst v63  }
0x67: {  	_ =	swait.ge [sflag:s23], $0x80  }
0x68: {  	[sflag:s23] =	ssyncset.done $0x0  }
0x69: {  	[sflag:s23] =	ssyncadd.s32 $0xFFFFFF80  }
0x6a: {  	_ =	swait.ge [sflag:s24], $0x4000  }
0x6b: {  	[sflag:s24] =	ssyncset.done $0x0  }
0x6c: {  	[sflag:s24] =	ssyncadd.s32 $0xFFFFC000  }
0x6d: {  	[spmem:s3] =	stream.indirect.scatter.add.f32 [tilespmem:s20], [sflag:$0x5], $0x80, s18, s19, $0xb8;
	[tilespmem:$0x1E900] =	vst v63  }
0x6e: {  	_ =	swait.ge [sflag:s13], $0x4000  }
0x6f: {  	[sflag:s13] =	ssyncset.done $0x0  }
0x70: {  	[sflag:s13] =	ssyncadd.s32 $0xFFFFC000  }
0x71: {  	[tilespmem:s18], [sflag:$0x4] =	stream.linear.gather [hbm4b:s10+s4], $0x80, $0x38;
	[tilespmem:$0x1E900] =	vst v63  }
0x72: {  	_ = 	snop  }
0x73: {  	[tilespmem:s20], [sflag:$0x2] =	stream.indirect.gather [hbm4b:s1+s19], $0x80, s25, s19, $0xb8;
	[tilespmem:$0x1E900] =	vst v63  }
0x74: {  	_ =	swait.ge [sflag:s21], $0x80  }
0x75: {  	[sflag:s21] =	ssyncset.done $0x0  }
0x76: {  	[sflag:s21] =	ssyncadd.s32 $0xFFFFFF80  }
0x77: {  	_ =	swait.ge [sflag:s22], $0x4000  }
0x78: {  	[sflag:s22] =	ssyncset.done $0x0  }
0x79: {  	[sflag:s22] =	ssyncadd.s32 $0xFFFFC000  }
0x7a: {  	[spmem:s3] =	stream.indirect.scatter.add.f32 [tilespmem:s17], [sflag:$0x5], $0x80, s16, s19, $0xb8;
	[tilespmem:$0x1E900] =	vst v63  }
0x7b: {  	_ =	swait.ge [sflag:s13], $0x4000  }
0x7c: {  	[sflag:s13] =	ssyncset.done $0x0  }
0x7d: {  	[sflag:s13] =	ssyncadd.s32 $0xFFFFC000  }
0x7e: {  	_ =	swait.ge [sflag:s23], $0x80  }
0x7f: {  	[sflag:s23] =	ssyncset.done $0x0  }
0x80: {  	[sflag:s23] =	ssyncadd.s32 $0xFFFFFF80  }
0x81: {  	_ =	swait.ge [sflag:s24], $0x4000  }
0x82: {  	[sflag:s24] =	ssyncset.done $0x0  }
0x83: {  	[sflag:s24] =	ssyncadd.s32 $0xFFFFC000  }
0x84: {  	[spmem:s3] =	stream.indirect.scatter.add.f32 [tilespmem:s20], [sflag:$0x5], $0x80, s18, s19, $0xb8;
	[tilespmem:$0x1E900] =	vst v63  }
0x85: {  	_ =	swait.ge [sflag:s13], $0x4000  }
0x86: {  	s26 =	sadd.s32 $0x1, s26;
	[sflag:s13] =	ssyncset.done $0x0  }
0x87: {  	p0 =	sne.s32 s26, s9;
	[sflag:s13] =	ssyncadd.s32 $0xFFFFC000  }
.Ltmp1:
0x88: {  	[bflag:$0x0] =	sbarrier.arrive $0xFFFF;
	(pc) =	sbr.rel @p0 .LBB2_1-.Ltmp1, $4  }
0x89: {  	[hbm:s8], [sflag:s14] =	dma.local [spmem:s15], $0x2800  }
0x8a: {  	_ =	swait.ge [sflag:s13], $0x2800  }
0x8b: {  	[sflag:s13] =	ssyncset.done $0x0  }
0x8c: {  	[sflag:s13] =	ssyncadd.s32 $0xFFFFD800  }
0x8d: {  	_ =	sfence.sel $0x180000  }
0x8e: {  	[bflag:$0x0] =	sbarrier.arrive $0xFFFF  }
0x8f: {  	_ =	strace $0x9000004A  }
0x90: {  	s0 =	stileid.u32;
	[bflag:$0x2] =	sbarrier.arrive $0xFFFF  }
0x91: {  	p0 =	sne.s32 s0, $0x0;
	s0 =	rddreg [dreg:$0x3]  }
0x92: {  	s0 =	sadd.s32 @!p0 $0x100000, s0  }
0x93: {  	[sflag:s0] =	ssyncadd.tile.s32 @!p0 $0x1;
	_ =	shalt  }
.Lfunc_end2:
_tile_overlayer_lowered:
.L_overlay_start_2:
0x94: {  	(tag) =	ssettag $0x2  }
0x95: {  	s0 =	rddreg [dreg:$0x0];
	s2 =	stileid.u32  }
0x96: {  	s1 =	rddreg [dreg:$0x1];
	p0 =	sne.s32 s2, $0x0  }
0x97: {  	s3 =	rddreg [dreg:$0x2];
	[bflag:$0x3] =	sbarrier.arrive $0xFFFF;
	s2 =	simm.s32 @!p0 $0x1C05  }
0x98: {  	[timem:s3], [sflag:s2] =	dma.local @!p0 [hbm:s0], s1  }
0x99: {  	s0 =	simm.s32 @!p0 $0x5  }
0x9a: {  	_ =	swait.ge @!p0 [sflag:s0], s1  }
0x9b: {  	s1 =	ssub.s32 @!p0 $0x0, s1;
	[sflag:s0] =	ssyncset.done @!p0 $0x0  }
0x9c: {  	[sflag:s0] =	ssyncadd.s32 @!p0 s1  }
0x9d: {  	[bflag:$0x3] =	sbarrier.arrive $0xFFFF  }
0x9e: {  	_ =	shalt  }

// kernel: kernel.14.cloned.1.call-start
scs
__scs_entry_jumppad:
0x0: {  	(pc) =	sbr.rel $0x88, $3  }
0x1: {  	(tag) =	ssettag $0x0;
	lr =	simm.s32 $0x1  }
0x2: {  	[smem:$0x3F96] =	sst lr;
	_ =	strace $0xD0000000  }
0x3: {  	_ = 	snop  }
0x4: {  	_ = 	snop  }
0x5: {  	_ = 	snop  }
0x6: {  	_ = 	snop  }
0x7: {  	_ = 	snop  }
__scs_overlays_trampoline_lowered:
0x8: {  	[smem:$0x3FA5] =	sst s0  }
0x9: {  	[smem:$0x3FA6] =	sst s1  }
0xa: {  	[smem:$0x3FA7] =	sst s2  }
0xb: {  	[smem:$0x3FA8] =	sst s3  }
0xc: {  	[smem:$0x3FA9] =	sst s4  }
0xd: {  	[smem:$0x3FAA] =	sst s5  }
0xe: {  	[smem:$0x3FAB] =	sst s6  }
0xf: {  	[smem:$0x3FAC] =	sst s7  }
0x10: {  	[smem:$0x3FAD] =	sst s8  }
0x11: {  	[smem:$0x3FAE] =	sst s9;
	s0 =	simm.s32 @!p0 $0x0  }
0x12: {  	s1 =	sld [smem:$0x3F94];
	s0 =	simm.s32 @p0 $0x1  }
0x13: {  	[smem:$0x3FAF] =	sst s0;
	s0 =	simm.s32 @!p1 $0x0  }
0x14: {  	s2 =	sld [smem:$0x3F93];
	s0 =	simm.s32 @p1 $0x1  }
0x15: {  	[smem:$0x3FB0] =	sst s0;
	s0 =	simm.s32 @!p2 $0x0  }
0x16: {  	s3 =	sld [smem:$0x3FDB];
	s0 =	simm.s32 @p2 $0x1  }
0x17: {  	s4 =	simm.s32 $0x1BF5;
	[smem:$0x3FB2] =	sst s0  }
0x18: {  	s0 =	sld [smem:$0x3F95];
	_ =	swait.ge [sflag:s4], $0x0  }
0x19: {  	s7 =	sld [smem:$0x3F96]  }
0x1a: {  	s8 =	sadd.s32 $0xFFFFE003, lr  }
0x1b: {  	s9 =	sadd.s32 $0xFFFFFEF7, lr;
	s5 =	simm.s32 $0xFFFFFFFF;
	p2 =	slt.u32 s8, $0xFFFFF086  }
0x1c: {  	p1 =	slt.u32 s9, $0xF7A;
	s5 =	simm.s32 @!p2 $0x0  }
0x1d: {  	s5 =	simm.s32 @p1 $0x1;
	p0 =	seq.s32 s7, s2  }
0x1e: {  	s7 =	smul.u32 @!p0 $0xF7A, s2;
	p2 =	seq.s32 @!p0 s5, $0x0  }
0x1f: {  	s9 =	smul.u32 $0xF7A, s1;
	s8 =	simm.s32 @!p0 $0x1BF5;
	p2 =	por !p2, p0  }
0x20: {  	[sflag:s8] =	ssyncset.s32 @!p0 $0xFFFFF086;
	s6 =	sadd.s32 @!p0 s3, s7;
	s7 =	simm.s32 @!p0 $0x108  }
0x21: {  	s3 =	sadd.s32 s3, s9;
	s6 =	sadd.s32 @!p0 $0x88, s6;
	s7 =	simm.s32 @p2 $0x1082  }
0x22: {  	[simem:s7], [sflag:s8] =	dma.local @!p0 [hbm:s6], $0xF7A  }
0x23: {  	s9 =	sor.u32 $0xD0000000, s2;
	s6 =	simm.s32 $0x108;
	_ =	swait.ge @!p0 [sflag:s8], $0x0  }
0x24: {  	s3 =	sadd.s32 $0x88, s3;
	s6 =	simm.s32 @!p1 $0x1082;
	[sflag:s4] =	ssyncset.s32 $0xFFFFF086  }
0x25: {  	[simem:s6], [sflag:s4] =	dma.local [hbm:s3], $0xF7A  }
0x26: {  	[smem:$0x3F96] =	sst s1;
	(tag) =	ssettag s2;
	_ =	strace s9  }
0x27: {  	s1 =	sld [smem:$0x3FA6]  }
0x28: {  	s2 =	sld [smem:$0x3FA7]  }
0x29: {  	s4 =	sld [smem:$0x3FA9]  }
0x2a: {  	p0 =	seq.s32 s5, $0x0;
	s5 =	sld [smem:$0x3FAA]  }
0x2b: {  	s6 =	sld [smem:$0x3FAB]  }
0x2c: {  	s7 =	sld [smem:$0x3FAC]  }
0x2d: {  	s3 =	simm.s32 $0x108;
	s8 =	sld [smem:$0x3FAD]  }
0x2e: {  	s3 =	simm.s32 @!p0 $0x1082;
	s9 =	sld [smem:$0x3FAE]  }
0x2f: {  	lr =	sadd.s32 s0, s3;
	s0 =	sld [smem:$0x3FA5]  }
0x30: {  	s3 =	sld [smem:$0x3FA8]  }
0x31: {  	[smem:$0x3FB1] =	sst s10  }
0x32: {  	s10 =	sld [smem:$0x3FAF];
	_ =	sdelay $0x3  }
0x33: {  	p0 =	seq.s32 s10, $0x1;
	s10 =	sld [smem:$0x3FB1];
	_ =	sdelay $0x3  }
0x34: {  	[smem:$0x3FB1] =	sst s10  }
0x35: {  	s10 =	sld [smem:$0x3FB0];
	_ =	sdelay $0x3  }
0x36: {  	p1 =	seq.s32 s10, $0x1;
	s10 =	sld [smem:$0x3FB1];
	_ =	sdelay $0x3  }
0x37: {  	[smem:$0x3FB1] =	sst s10  }
0x38: {  	s10 =	sld [smem:$0x3FB2]  }
0x39: {  	_ = 	snop;
	(pc) =	sbr.ind lr, $3  }
0x3a: {  	_ = 	snop  }
0x3b: {  	_ = 	snop  }
0x3c: {  	p2 =	seq.s32 s10, $0x1;
	s10 =	sld [smem:$0x3FB1]  }
0x3d: {  	_ =	shalt  }
0x3e: {  	_ =	shalt  }
0x3f: {  	_ =	shalt  }
0x40: {  	_ =	shalt  }
0x41: {  	_ =	shalt  }
0x42: {  	_ =	shalt  }
0x43: {  	_ =	shalt  }
0x44: {  	_ =	shalt  }
0x45: {  	_ =	shalt  }
0x46: {  	_ =	shalt  }
0x47: {  	_ =	shalt  }
0x48: {  	_ =	shalt  }
0x49: {  	_ =	shalt  }
0x4a: {  	_ =	shalt  }
0x4b: {  	_ =	shalt  }
0x4c: {  	_ =	shalt  }
0x4d: {  	_ =	shalt  }
0x4e: {  	_ =	shalt  }
0x4f: {  	_ =	shalt  }
0x50: {  	_ =	shalt  }
0x51: {  	_ =	shalt  }
0x52: {  	_ =	shalt  }
0x53: {  	_ =	shalt  }
0x54: {  	_ =	shalt  }
0x55: {  	_ =	shalt  }
0x56: {  	_ =	shalt  }
0x57: {  	_ =	shalt  }
0x58: {  	_ =	shalt  }
0x59: {  	_ =	shalt  }
0x5a: {  	_ =	shalt  }
0x5b: {  	_ =	shalt  }
0x5c: {  	_ =	shalt  }
0x5d: {  	_ =	shalt  }
0x5e: {  	_ =	shalt  }
0x5f: {  	_ =	shalt  }
0x60: {  	_ =	shalt  }
0x61: {  	_ =	shalt  }
0x62: {  	_ =	shalt  }
0x63: {  	_ =	shalt  }
0x64: {  	_ =	shalt  }
0x65: {  	_ =	shalt  }
0x66: {  	_ =	shalt  }
0x67: {  	_ =	shalt  }
0x68: {  	_ =	shalt  }
0x69: {  	_ =	shalt  }
0x6a: {  	_ =	shalt  }
0x6b: {  	_ =	shalt  }
0x6c: {  	_ =	shalt  }
0x6d: {  	_ =	shalt  }
0x6e: {  	_ =	shalt  }
0x6f: {  	_ =	shalt  }
0x70: {  	_ =	shalt  }
0x71: {  	_ =	shalt  }
0x72: {  	_ =	shalt  }
0x73: {  	_ =	shalt  }
0x74: {  	_ =	shalt  }
0x75: {  	_ =	shalt  }
0x76: {  	_ =	shalt  }
0x77: {  	_ =	shalt  }
0x78: {  	_ =	shalt  }
0x79: {  	_ =	shalt  }
0x7a: {  	_ =	shalt  }
0x7b: {  	_ =	shalt  }
0x7c: {  	_ =	shalt  }
0x7d: {  	_ =	shalt  }
0x7e: {  	_ =	shalt  }
0x7f: {  	_ =	shalt  }
0x80: {  	_ =	shalt  }
0x81: {  	_ =	shalt  }
0x82: {  	_ =	shalt  }
0x83: {  	_ =	shalt  }
0x84: {  	_ =	shalt  }
0x85: {  	_ =	shalt  }
0x86: {  	_ =	shalt  }
0x87: {  	_ =	shalt  }
.Lfunc_end0:
.L_simem_size_0:
called_computation.2_lowered:
.L_overlay_start_0:
0x88: {  	s2 =	sld [smem:$0x3FD9]  }
0x89: {  	s3 =	sld [smem:$0x3FFE];
	_ =	sdelay $0x1  }
0x8a: {  	s1 =	srdreg.scid  }
0x8b: {  	s0 =	sand.u32 $0x1, s1  }
0x8c: {  	s17 =	sshll.u32 s0, $0xA;
	s2 =	sadd.s32 s3, s2  }
0x8d: {  	s2 =	sadd.s32 s2, s17  }
0x8e: {  	[smem:$0x3FBD] =	sst s2  }
0x8f: {  	_ = 	snop  }
0x90: {  	s2 =	sld [smem:$0x3FD0];
	(tm) =	ssettm $0x1  }
0x91: {  	s18 =	sld [smem:$0x3FFB];
	_ =	sdelay $0x3  }
0x92: {  	_ =	strace s18  }
0x93: {  	s3 =	sld [smem:$0x3FFC];
	_ =	sdelay $0x3  }
0x94: {  	_ =	strace s3  }
0x95: {  	s3 =	sld [smem:$0x3FFD];
	_ =	sdelay $0x3  }
0x96: {  	_ =	strace s3  }
0x97: {  	_ =	strace $0x8FFFFFFF  }
0x98: {  	s19 =	sld [smem:$0x3FDB];
	_ =	sdelay $0x1  }
0x99: {  	s4 =	simm.s32 $_scs_section_size  }
0x9a: {  	s5 =	simm.s32 $_size__tile_overlayer_lowered;
	s6 =	simm.s32 $_tile_overlayer_lowered  }
0x9b: {  	s22 =	simm.s32 $0x1BFF;
	s21 =	sshll.u32 s6, $0x1;
	s3 =	sadd.s32 s4, s19  }
0x9c: {  	s7 =	simm.s32 $0x0;
	s20 =	sshll.u32 s5, $0x1;
	s5 =	sadd.s32 s21, s3  }
0x9d: {  	[timem:s7], [sflag:s22] =	dma.local [hbm:s5], s20  }
0x9e: {  	_ =	swait.ge [sflag:s22], s20  }
0x9f: {  	s4 =	ssub.s32 $0x0, s20;
	[sflag:s22] =	ssyncset.done $0x0  }
0xa0: {  	[sflag:s22] =	ssyncadd.s32 s4;
	_ =	sdelay $0x1  }
0xa1: {  	s23 =	simm.s32 $0x1B8B  }
0xa2: {  	_ =	swait.ge [sflag:s23], $0x1  }
0xa3: {  	[sflag:s23] =	ssyncset.done $0x0  }
0xa4: {  	s25 =	simm.s32 $0x1B8E;
	s24 =	sld [smem:$0x3FFE];
	[sflag:s23] =	ssyncadd.s32 $0xFFFFFFFF  }
0xa5: {  	s26 =	simm.s32 $execute0_lowered;
	[smem:$0x3FD2] =	sst s25  }
0xa6: {  	s5 =	sshll.u32 s26, $0x1;
	_ =	strace $0x8000004C;
	[dreg:$0x1] =	wrdreg $0xFFFFFFFF  }
0xa7: {  	s28 =	simm.s32 $_size_execute0_lowered;
	s3 =	sadd.s32 s3, s5;
	[dreg:$0x0] =	wrdreg $0x0  }
0xa8: {  	s5 =	sshll.u32 s28, $0x1;
	[dreg:$0x2] =	wrdreg s3  }
0xa9: {  	[dreg:$0x3] =	wrdreg s5  }
0xaa: {  	[dreg:$0x4] =	wrdreg $0xC0  }
0xab: {  	_ =	task [dreg:s7], $0x5FFFF  }
0xac: {  	[dreg:$0x1] =	wrdreg $0xFFFFFFFF  }
0xad: {  	[dreg:$0x0] =	wrdreg $0x60  }
0xae: {  	[dreg:$0x2] =	wrdreg s2  }
0xaf: {  	[dreg:$0x3] =	wrdreg s24  }
0xb0: {  	[dreg:$0x4] =	wrdreg $0xA9000  }
0xb1: {  	[dreg:$0x5] =	wrdreg $0x9  }
0xb2: {  	_ =	task.clear_ibuf [dreg:s7], $0x6FFFF;
	_ =	strace $0x9000004C  }
0xb3: {  	s29 =	simm.s32 $0x9;
	_ =	strace $0x8000004E  }
0xb4: {  	_ =	swait.ge [sflag:s29], $0x1  }
0xb5: {  	[sflag:s29] =	ssyncadd.s32 $0xFFFFFFFF  }
0xb6: {  	_ =	strace $0x9000004E  }
0xb7: {  	_ =	sfence  }
0xb8: {  	s30 =	sld [smem:$0x0];
	_ =	sdelay $0x2  }
0xb9: {  	s31 =	sshll.u32 s1, $0xD;
	s1 =	sshrl.u32 s1, $0x2  }
0xba: {  	s3 =	sand.u32 $0x4000, s31;
	s1 =	sadd.s32 s1, s30  }
0xbb: {  	s0 =	sor.u32 s3, s0;
	s1 =	sshll.u32 s1, $0x11  }
0xbc: {  	s0 =	sor.u32 s1, s0  }
0xbd: {  	s0 =	sadd.s32 $0x8F2B, s0  }
0xbe: {  	[sflag:s0] =	ssyncadd.remote.s32 $0x1  }
0xbf: {  	_ =	sfence.sel $0xFFFF  }
0xc0: {  	[dreg:$0x0] =	wrdreg $0xFFFFFFFF;
	(pc) =	sbr.abs _section_cstart, $3  }
0xc1: {  	[dreg:$0x1] =	wrdreg $0xFFFFFFFF  }
0xc2: {  	_ =	task.clear_ibuf [dreg:s7], $0x2FFFF;
	_ =	strace $0x9FFFFFFF  }
0xc3: {  	(tm) =	ssettm $0x7FFFFFFF  }
tec
execute0_lowered:
.L_overlay_start_1:
0x0: {  	(tag) =	ssettag $0x1  }
0x1: {  	s2 =	srdreg.scid;
	s1 =	rddreg [dreg:$0x0]  }
0x2: {  	s0 =	stileid.u32;
	s6 =	rddreg [dreg:$0x1]  }
0x3: {  	s3 =	rddreg [dreg:$0x2];
	s4 =	simm.s32 $0x0;
	s17 =	simm.s32 $0x2900  }
0x4: {  	s18 =	simm.s32 $0x2880;
	s19 =	simm.s32 $0x80;
	s20 =	simm.s32 $0x6900  }
0x5: {  	s21 =	simm.s32 $0x3;
	s22 =	simm.s32 $0x1;
	s8 =	smul.u32 $0x14000, s0  }
0x6: {  	s5 =	sand.u32 $0x1, s2;
	s23 =	sshll.u32 s0, $0x1;
	s25 =	smul.u32 $0x50000, s0  }
0x7: {  	[smem:$0x7FF] =	sst s4;
	s12 =	sadd.s32 $0x2E00, s6;
	s13 =	smul.u32 $0x5000, s0  }
0x8: {  	s31 =	sshll.u32 s0, $0x6;
	s2 =	sor.u32 s5, s23;
	s9 =	smul.u32 $0x140000, s5  }
0x9: {  	_ =	strace $0x8000004D;
	s26 =	ssub.s32 $0x2, s5;
	s15 =	smul.u32 $0x2800, s5  }
0xa: {  	s23 =	simm.s32 $0x4;
	s7 =	smul.u32 $0x2800, s2;
	s11 =	sshrl.u32 s8, $0x3  }
0xb: {  	s14 =	sshrl.u32 s26, $0x1;
	s8 =	sadd.s32 s8, s9;
	s24 =	sadd.s32 s11, s6  }
0xc: {  	s11 =	sshrl.u32 s25, $0x2;
	s14 =	ssub.s32 s26, s14;
	s28 =	sadd.s32 s15, s13  }
0xd: {  	s25 =	simm.s32 $0x2780;
	s26 =	simm.s32 $0x0;
	s7 =	sshrl.u32 s7, $0x3  }
0xe: {  	s8 =	sshrl.u32 s8, $0x3;
	s16 =	sadd.s32 s11, s3;
	s9 =	smax.u32 s14, $0x1  }
0xf: {  	s13 =	sor.u32 $0x80, s28;
	s29 =	sor.u32 $0x100, s28;
	s14 =	sor.u32 $0x1C05, s31  }
0x10: {  	s10 =	sadd.s32 s7, s6;
	s8 =	sadd.s32 s8, s6;
	s6 =	sadd.s32 $0x17400, s24  }
0x11: {  	s7 =	sadd.s32 s12, s7;
	s13 =	sshrl.u32 s13, $0x3;
	s30 =	sshrl.u32 s29, $0x3  }
0x12: {  	s15 =	sshrl.u32 s16, $0x3;
	s16 =	simm.s32 $0x2800;
	s24 =	simm.s32 $0x2  }
0x13: {  	s5 =	sadd.s32 $0xCE00, s10;
	s8 =	sadd.s32 $0x3F400, s8;
	s10 =	sadd.s32 $0x4F0, s7  }
0x14: {  	s11 =	sadd.s32 s13, s12;
	s12 =	sadd.s32 s30, s12;
	s13 =	simm.s32 $0x5  }
.LBB2_1:
0x15: {  	[tilespmem:s4], [sflag:$0x5] =	stream.linear.gather [hbm4b:s5+s4], $0x2800, $0x38;
	[tilespmem:$0x1E900] =	vst v63  }
0x16: {  	_ =	swait.ge [sflag:s13], $0x2800  }
0x17: {  	[sflag:s13] =	ssyncset.done $0x0  }
0x18: {  	[sflag:s13] =	ssyncadd.s32 $0xFFFFD800  }
0x19: {  	[spmem:s15], [sflag:s14] =	dma.local [hbm:s6], $0x2800  }
0x1a: {  	_ =	swait.ge [sflag:s13], $0x2800  }
0x1b: {  	[sflag:s13] =	ssyncset.done $0x0  }
0x1c: {  	[sflag:s13] =	ssyncadd.s32 $0xFFFFD800  }
0x1d: {  	[bflag:$0x0] =	sbarrier.arrive $0xFFFF  }
0x1e: {  	[tilespmem:s16], [sflag:$0x3] =	stream.linear.gather [hbm4b:s7+s4], $0x80, $0x38;
	[tilespmem:$0x1E900] =	vst v63  }
0x1f: {  	_ = 	snop  }
0x20: {  	[tilespmem:s17], [sflag:$0x1] =	stream.indirect.gather [hbm4b:s1+s19], $0x80, s4, s19, $0xb8;
	[tilespmem:$0x1E900] =	vst v63  }
0x21: {  	s28 =	sadd.s32 $0x0, s11  }
0x22: {  	[tilespmem:s18], [sflag:$0x4] =	stream.linear.gather [hbm4b:s28+s4], $0x80, $0x38;
	[tilespmem:$0x1E900] =	vst v63  }
0x23: {  	_ = 	snop  }
0x24: {  	[tilespmem:s20], [sflag:$0x2] =	stream.indirect.gather [hbm4b:s1+s19], $0x80, s19, s19, $0xb8;
	[tilespmem:$0x1E900] =	vst v63  }
0x25: {  	_ =	swait.ge [sflag:s21], $0x80  }
0x26: {  	[sflag:s21] =	ssyncset.done $0x0  }
0x27: {  	[sflag:s21] =	ssyncadd.s32 $0xFFFFFF80  }
0x28: {  	_ =	swait.ge [sflag:s22], $0x4000  }
0x29: {  	[sflag:s22] =	ssyncset.done $0x0  }
0x2a: {  	[sflag:s22] =	ssyncadd.s32 $0xFFFFC000  }
0x2b: {  	[spmem:s3] =	stream.indirect.scatter.add.f32 [tilespmem:s17], [sflag:$0x5], $0x80, s16, s19, $0xb8;
	[tilespmem:$0x1E900] =	vst v63  }
0x2c: {  	_ =	swait.ge [sflag:s13], $0x4000  }
0x2d: {  	[sflag:s13] =	ssyncset.done $0x0  }
0x2e: {  	s28 =	sadd.s32 $0x0, s12;
	[sflag:s13] =	ssyncadd.s32 $0xFFFFC000  }
0x2f: {  	[tilespmem:s16], [sflag:$0x3] =	stream.linear.gather [hbm4b:s28+s4], $0x80, $0x38;
	[tilespmem:$0x1E900] =	vst v63  }
0x30: {  	s28 =	simm.s32 $0x100  }
0x31: {  	[tilespmem:s17], [sflag:$0x1] =	stream.indirect.gather [hbm4b:s1+s19], $0x80, s28, s19, $0xb8;
	[tilespmem:$0x1E900] =	vst v63  }
0x32: {  	_ =	swait.ge [sflag:s23], $0x80  }
0x33: {  	[sflag:s23] =	ssyncset.done $0x0  }
0x34: {  	[sflag:s23] =	ssyncadd.s32 $0xFFFFFF80  }
0x35: {  	_ =	swait.ge [sflag:s24], $0x4000  }
0x36: {  	[sflag:s24] =	ssyncset.done $0x0  }
0x37: {  	[sflag:s24] =	ssyncadd.s32 $0xFFFFC000  }
0x38: {  	[spmem:s3] =	stream.indirect.scatter.add.f32 [tilespmem:s20], [sflag:$0x5], $0x80, s18, s19, $0xb8;
	[tilespmem:$0x1E900] =	vst v63  }
0x39: {  	s30 =	simm.s32 $0x40;
	_ =	swait.ge [sflag:s13], $0x4000  }
0x3a: {  	s29 =	simm.s32 $0x180;
	s28 =	simm.s32 $0x20;
	[sflag:s13] =	ssyncset.done $0x0  }
.LBB2_2:
0x3b: {  	s31 =	sadd.s32 s28, s11  }
0x3c: {  	[sflag:s13] =	ssyncadd.s32 $0xFFFFC000;
	s2 =	smov.u32 s30;
	s0 =	sadd.s32 $0x20, s30  }
0x3d: {  	[tilespmem:s18], [sflag:$0x4] =	stream.linear.gather [hbm4b:s31+s4], $0x80, $0x38;
	[tilespmem:$0x1E900] =	vst v63  }
0x3e: {  	p0 =	sne.s32 s30, $0x4C0  }
0x3f: {  	[tilespmem:s20], [sflag:$0x2] =	stream.indirect.gather [hbm4b:s1+s19], $0x80, s29, s19, $0xb8;
	[tilespmem:$0x1E900] =	vst v63  }
0x40: {  	_ =	swait.ge [sflag:s21], $0x80  }
0x41: {  	[sflag:s21] =	ssyncset.done $0x0  }
0x42: {  	[sflag:s21] =	ssyncadd.s32 $0xFFFFFF80  }
0x43: {  	_ =	swait.ge [sflag:s22], $0x4000  }
0x44: {  	[sflag:s22] =	ssyncset.done $0x0  }
0x45: {  	[sflag:s22] =	ssyncadd.s32 $0xFFFFC000  }
0x46: {  	[spmem:s3] =	stream.indirect.scatter.add.f32 [tilespmem:s17], [sflag:$0x5], $0x80, s16, s19, $0xb8;
	[tilespmem:$0x1E900] =	vst v63  }
0x47: {  	_ =	swait.ge [sflag:s13], $0x4000  }
0x48: {  	[sflag:s13] =	ssyncset.done $0x0  }
0x49: {  	s30 =	sadd.s32 s28, s12;
	s28 =	smov.u32 s2;
	[sflag:s13] =	ssyncadd.s32 $0xFFFFC000  }
0x4a: {  	[tilespmem:s16], [sflag:$0x3] =	stream.linear.gather [hbm4b:s30+s4], $0x80, $0x38;
	[tilespmem:$0x1E900] =	vst v63  }
0x4b: {  	s2 =	sadd.s32 $0x80, s29  }
0x4c: {  	[tilespmem:s17], [sflag:$0x1] =	stream.indirect.gather [hbm4b:s1+s19], $0x80, s2, s19, $0xb8;
	[tilespmem:$0x1E900] =	vst v63  }
0x4d: {  	_ =	swait.ge [sflag:s23], $0x80  }
0x4e: {  	[sflag:s23] =	ssyncset.done $0x0  }
0x4f: {  	[sflag:s23] =	ssyncadd.s32 $0xFFFFFF80  }
0x50: {  	_ =	swait.ge [sflag:s24], $0x4000  }
.Ltmp0:
0x51: {  	[sflag:s24] =	ssyncset.done $0x0;
	(pc) =	sbr.rel @p0 .LBB2_2-.Ltmp0, $4  }
0x52: {  	[sflag:s24] =	ssyncadd.s32 $0xFFFFC000  }
0x53: {  	[spmem:s3] =	stream.indirect.scatter.add.f32 [tilespmem:s20], [sflag:$0x5], $0x80, s18, s19, $0xb8;
	[tilespmem:$0x1E900] =	vst v63  }
0x54: {  	_ =	swait.ge [sflag:s13], $0x4000  }
0x55: {  	s29 =	sadd.s32 $0x100, s29;
	s30 =	smov.u32 s0;
	[sflag:s13] =	ssyncset.done $0x0  }
0x56: {  	s0 =	sadd.s32 s28, s11;
	[sflag:s13] =	ssyncadd.s32 $0xFFFFC000  }
0x57: {  	[tilespmem:s18], [sflag:$0x4] =	stream.linear.gather [hbm4b:s0+s4], $0x80, $0x38;
	[tilespmem:$0x1E900] =	vst v63  }
0x58: {  	_ = 	snop  }
0x59: {  	[tilespmem:s20], [sflag:$0x2] =	stream.indirect.gather [hbm4b:s1+s19], $0x80, s29, s19, $0xb8;
	[tilespmem:$0x1E900] =	vst v63  }
0x5a: {  	_ =	swait.ge [sflag:s21], $0x80  }
0x5b: {  	[sflag:s21] =	ssyncset.done $0x0  }
0x5c: {  	[sflag:s21] =	ssyncadd.s32 $0xFFFFFF80  }
0x5d: {  	_ =	swait.ge [sflag:s22], $0x4000  }
0x5e: {  	[sflag:s22] =	ssyncset.done $0x0  }
0x5f: {  	[sflag:s22] =	ssyncadd.s32 $0xFFFFC000  }
0x60: {  	[spmem:s3] =	stream.indirect.scatter.add.f32 [tilespmem:s17], [sflag:$0x5], $0x80, s16, s19, $0xb8;
	[tilespmem:$0x1E900] =	vst v63  }
0x61: {  	_ =	swait.ge [sflag:s13], $0x4000  }
0x62: {  	[sflag:s13] =	ssyncset.done $0x0  }
0x63: {  	s30 =	sadd.s32 s28, s12;
	[sflag:s13] =	ssyncadd.s32 $0xFFFFC000  }
0x64: {  	[tilespmem:s16], [sflag:$0x3] =	stream.linear.gather [hbm4b:s30+s4], $0x80, $0x38;
	[tilespmem:$0x1E900] =	vst v63  }
0x65: {  	s31 =	sadd.s32 $0x80, s29  }
0x66: {  	[tilespmem:s17], [sflag:$0x1] =	stream.indirect.gather [hbm4b:s1+s19], $0x80, s31, s19, $0xb8;
	[tilespmem:$0x1E900] =	vst v63  }
0x67: {  	_ =	swait.ge [sflag:s23], $0x80  }
0x68: {  	[sflag:s23] =	ssyncset.done $0x0  }
0x69: {  	[sflag:s23] =	ssyncadd.s32 $0xFFFFFF80  }
0x6a: {  	_ =	swait.ge [sflag:s24], $0x4000  }
0x6b: {  	[sflag:s24] =	ssyncset.done $0x0  }
0x6c: {  	[sflag:s24] =	ssyncadd.s32 $0xFFFFC000  }
0x6d: {  	[spmem:s3] =	stream.indirect.scatter.add.f32 [tilespmem:s20], [sflag:$0x5], $0x80, s18, s19, $0xb8;
	[tilespmem:$0x1E900] =	vst v63  }
0x6e: {  	_ =	swait.ge [sflag:s13], $0x4000  }
0x6f: {  	[sflag:s13] =	ssyncset.done $0x0  }
0x70: {  	[sflag:s13] =	ssyncadd.s32 $0xFFFFC000  }
0x71: {  	[tilespmem:s18], [sflag:$0x4] =	stream.linear.gather [hbm4b:s10+s4], $0x80, $0x38;
	[tilespmem:$0x1E900] =	vst v63  }
0x72: {  	_ = 	snop  }
0x73: {  	[tilespmem:s20], [sflag:$0x2] =	stream.indirect.gather [hbm4b:s1+s19], $0x80, s25, s19, $0xb8;
	[tilespmem:$0x1E900] =	vst v63  }
0x74: {  	_ =	swait.ge [sflag:s21], $0x80  }
0x75: {  	[sflag:s21] =	ssyncset.done $0x0  }
0x76: {  	[sflag:s21] =	ssyncadd.s32 $0xFFFFFF80  }
0x77: {  	_ =	swait.ge [sflag:s22], $0x4000  }
0x78: {  	[sflag:s22] =	ssyncset.done $0x0  }
0x79: {  	[sflag:s22] =	ssyncadd.s32 $0xFFFFC000  }
0x7a: {  	[spmem:s3] =	stream.indirect.scatter.add.f32 [tilespmem:s17], [sflag:$0x5], $0x80, s16, s19, $0xb8;
	[tilespmem:$0x1E900] =	vst v63  }
0x7b: {  	_ =	swait.ge [sflag:s13], $0x4000  }
0x7c: {  	[sflag:s13] =	ssyncset.done $0x0  }
0x7d: {  	[sflag:s13] =	ssyncadd.s32 $0xFFFFC000  }
0x7e: {  	_ =	swait.ge [sflag:s23], $0x80  }
0x7f: {  	[sflag:s23] =	ssyncset.done $0x0  }
0x80: {  	[sflag:s23] =	ssyncadd.s32 $0xFFFFFF80  }
0x81: {  	_ =	swait.ge [sflag:s24], $0x4000  }
0x82: {  	[sflag:s24] =	ssyncset.done $0x0  }
0x83: {  	[sflag:s24] =	ssyncadd.s32 $0xFFFFC000  }
0x84: {  	[spmem:s3] =	stream.indirect.scatter.add.f32 [tilespmem:s20], [sflag:$0x5], $0x80, s18, s19, $0xb8;
	[tilespmem:$0x1E900] =	vst v63  }
0x85: {  	_ =	swait.ge [sflag:s13], $0x4000  }
0x86: {  	s26 =	sadd.s32 $0x1, s26;
	[sflag:s13] =	ssyncset.done $0x0  }
0x87: {  	p0 =	sne.s32 s26, s9;
	[sflag:s13] =	ssyncadd.s32 $0xFFFFC000  }
.Ltmp1:
0x88: {  	[bflag:$0x0] =	sbarrier.arrive $0xFFFF;
	(pc) =	sbr.rel @p0 .LBB2_1-.Ltmp1, $4  }
0x89: {  	[hbm:s8], [sflag:s14] =	dma.local [spmem:s15], $0x2800  }
0x8a: {  	_ =	swait.ge [sflag:s13], $0x2800  }
0x8b: {  	[sflag:s13] =	ssyncset.done $0x0  }
0x8c: {  	[sflag:s13] =	ssyncadd.s32 $0xFFFFD800  }
0x8d: {  	_ =	sfence.sel $0x180000  }
0x8e: {  	[bflag:$0x0] =	sbarrier.arrive $0xFFFF  }
0x8f: {  	_ =	strace $0x9000004D  }
0x90: {  	s0 =	stileid.u32;
	[bflag:$0x2] =	sbarrier.arrive $0xFFFF  }
0x91: {  	p0 =	sne.s32 s0, $0x0;
	s0 =	rddreg [dreg:$0x3]  }
0x92: {  	s0 =	sadd.s32 @!p0 $0x100000, s0  }
0x93: {  	[sflag:s0] =	ssyncadd.tile.s32 @!p0 $0x1;
	_ =	shalt  }
.Lfunc_end2:
_tile_overlayer_lowered:
.L_overlay_start_2:
0x94: {  	(tag) =	ssettag $0x2  }
0x95: {  	s0 =	rddreg [dreg:$0x0];
	s2 =	stileid.u32  }
0x96: {  	s1 =	rddreg [dreg:$0x1];
	p0 =	sne.s32 s2, $0x0  }
0x97: {  	s3 =	rddreg [dreg:$0x2];
	[bflag:$0x3] =	sbarrier.arrive $0xFFFF;
	s2 =	simm.s32 @!p0 $0x1C05  }
0x98: {  	[timem:s3], [sflag:s2] =	dma.local @!p0 [hbm:s0], s1  }
0x99: {  	s0 =	simm.s32 @!p0 $0x5  }
0x9a: {  	_ =	swait.ge @!p0 [sflag:s0], s1  }
0x9b: {  	s1 =	ssub.s32 @!p0 $0x0, s1;
	[sflag:s0] =	ssyncset.done @!p0 $0x0  }
0x9c: {  	[sflag:s0] =	ssyncadd.s32 @!p0 s1  }
0x9d: {  	[bflag:$0x3] =	sbarrier.arrive $0xFFFF  }
0x9e: {  	_ =	shalt  }

// kernel: kernel.8.cloned.1.call-start
scs
__scs_entry_jumppad:
0x0: {  	(pc) =	sbr.rel $0x88, $3  }
0x1: {  	(tag) =	ssettag $0x0;
	lr =	simm.s32 $0x1  }
0x2: {  	[smem:$0x3F96] =	sst lr;
	_ =	strace $0xD0000000  }
0x3: {  	_ = 	snop  }
0x4: {  	_ = 	snop  }
0x5: {  	_ = 	snop  }
0x6: {  	_ = 	snop  }
0x7: {  	_ = 	snop  }
__scs_overlays_trampoline_lowered:
0x8: {  	[smem:$0x3FA5] =	sst s0  }
0x9: {  	[smem:$0x3FA6] =	sst s1  }
0xa: {  	[smem:$0x3FA7] =	sst s2  }
0xb: {  	[smem:$0x3FA8] =	sst s3  }
0xc: {  	[smem:$0x3FA9] =	sst s4  }
0xd: {  	[smem:$0x3FAA] =	sst s5  }
0xe: {  	[smem:$0x3FAB] =	sst s6  }
0xf: {  	[smem:$0x3FAC] =	sst s7  }
0x10: {  	[smem:$0x3FAD] =	sst s8  }
0x11: {  	[smem:$0x3FAE] =	sst s9;
	s0 =	simm.s32 @!p0 $0x0  }
0x12: {  	s1 =	sld [smem:$0x3F94];
	s0 =	simm.s32 @p0 $0x1  }
0x13: {  	[smem:$0x3FAF] =	sst s0;
	s0 =	simm.s32 @!p1 $0x0  }
0x14: {  	s2 =	sld [smem:$0x3F93];
	s0 =	simm.s32 @p1 $0x1  }
0x15: {  	[smem:$0x3FB0] =	sst s0;
	s0 =	simm.s32 @!p2 $0x0  }
0x16: {  	s3 =	sld [smem:$0x3FDB];
	s0 =	simm.s32 @p2 $0x1  }
0x17: {  	s4 =	simm.s32 $0x1BF5;
	[smem:$0x3FB2] =	sst s0  }
0x18: {  	s0 =	sld [smem:$0x3F95];
	_ =	swait.ge [sflag:s4], $0x0  }
0x19: {  	s7 =	sld [smem:$0x3F96]  }
0x1a: {  	s8 =	sadd.s32 $0xFFFFE003, lr  }
0x1b: {  	s9 =	sadd.s32 $0xFFFFFEF7, lr;
	s5 =	simm.s32 $0xFFFFFFFF;
	p2 =	slt.u32 s8, $0xFFFFF086  }
0x1c: {  	p1 =	slt.u32 s9, $0xF7A;
	s5 =	simm.s32 @!p2 $0x0  }
0x1d: {  	s5 =	simm.s32 @p1 $0x1;
	p0 =	seq.s32 s7, s2  }
0x1e: {  	s7 =	smul.u32 @!p0 $0xF7A, s2;
	p2 =	seq.s32 @!p0 s5, $0x0  }
0x1f: {  	s9 =	smul.u32 $0xF7A, s1;
	s8 =	simm.s32 @!p0 $0x1BF5;
	p2 =	por !p2, p0  }
0x20: {  	[sflag:s8] =	ssyncset.s32 @!p0 $0xFFFFF086;
	s6 =	sadd.s32 @!p0 s3, s7;
	s7 =	simm.s32 @!p0 $0x108  }
0x21: {  	s3 =	sadd.s32 s3, s9;
	s6 =	sadd.s32 @!p0 $0x88, s6;
	s7 =	simm.s32 @p2 $0x1082  }
0x22: {  	[simem:s7], [sflag:s8] =	dma.local @!p0 [hbm:s6], $0xF7A  }
0x23: {  	s9 =	sor.u32 $0xD0000000, s2;
	s6 =	simm.s32 $0x108;
	_ =	swait.ge @!p0 [sflag:s8], $0x0  }
0x24: {  	s3 =	sadd.s32 $0x88, s3;
	s6 =	simm.s32 @!p1 $0x1082;
	[sflag:s4] =	ssyncset.s32 $0xFFFFF086  }
0x25: {  	[simem:s6], [sflag:s4] =	dma.local [hbm:s3], $0xF7A  }
0x26: {  	[smem:$0x3F96] =	sst s1;
	(tag) =	ssettag s2;
	_ =	strace s9  }
0x27: {  	s1 =	sld [smem:$0x3FA6]  }
0x28: {  	s2 =	sld [smem:$0x3FA7]  }
0x29: {  	s4 =	sld [smem:$0x3FA9]  }
0x2a: {  	p0 =	seq.s32 s5, $0x0;
	s5 =	sld [smem:$0x3FAA]  }
0x2b: {  	s6 =	sld [smem:$0x3FAB]  }
0x2c: {  	s7 =	sld [smem:$0x3FAC]  }
0x2d: {  	s3 =	simm.s32 $0x108;
	s8 =	sld [smem:$0x3FAD]  }
0x2e: {  	s3 =	simm.s32 @!p0 $0x1082;
	s9 =	sld [smem:$0x3FAE]  }
0x2f: {  	lr =	sadd.s32 s0, s3;
	s0 =	sld [smem:$0x3FA5]  }
0x30: {  	s3 =	sld [smem:$0x3FA8]  }
0x31: {  	[smem:$0x3FB1] =	sst s10  }
0x32: {  	s10 =	sld [smem:$0x3FAF];
	_ =	sdelay $0x3  }
0x33: {  	p0 =	seq.s32 s10, $0x1;
	s10 =	sld [smem:$0x3FB1];
	_ =	sdelay $0x3  }
0x34: {  	[smem:$0x3FB1] =	sst s10  }
0x35: {  	s10 =	sld [smem:$0x3FB0];
	_ =	sdelay $0x3  }
0x36: {  	p1 =	seq.s32 s10, $0x1;
	s10 =	sld [smem:$0x3FB1];
	_ =	sdelay $0x3  }
0x37: {  	[smem:$0x3FB1] =	sst s10  }
0x38: {  	s10 =	sld [smem:$0x3FB2]  }
0x39: {  	_ = 	snop;
	(pc) =	sbr.ind lr, $3  }
0x3a: {  	_ = 	snop  }
0x3b: {  	_ = 	snop  }
0x3c: {  	p2 =	seq.s32 s10, $0x1;
	s10 =	sld [smem:$0x3FB1]  }
0x3d: {  	_ =	shalt  }
0x3e: {  	_ =	shalt  }
0x3f: {  	_ =	shalt  }
0x40: {  	_ =	shalt  }
0x41: {  	_ =	shalt  }
0x42: {  	_ =	shalt  }
0x43: {  	_ =	shalt  }
0x44: {  	_ =	shalt  }
0x45: {  	_ =	shalt  }
0x46: {  	_ =	shalt  }
0x47: {  	_ =	shalt  }
0x48: {  	_ =	shalt  }
0x49: {  	_ =	shalt  }
0x4a: {  	_ =	shalt  }
0x4b: {  	_ =	shalt  }
0x4c: {  	_ =	shalt  }
0x4d: {  	_ =	shalt  }
0x4e: {  	_ =	shalt  }
0x4f: {  	_ =	shalt  }
0x50: {  	_ =	shalt  }
0x51: {  	_ =	shalt  }
0x52: {  	_ =	shalt  }
0x53: {  	_ =	shalt  }
0x54: {  	_ =	shalt  }
0x55: {  	_ =	shalt  }
0x56: {  	_ =	shalt  }
0x57: {  	_ =	shalt  }
0x58: {  	_ =	shalt  }
0x59: {  	_ =	shalt  }
0x5a: {  	_ =	shalt  }
0x5b: {  	_ =	shalt  }
0x5c: {  	_ =	shalt  }
0x5d: {  	_ =	shalt  }
0x5e: {  	_ =	shalt  }
0x5f: {  	_ =	shalt  }
0x60: {  	_ =	shalt  }
0x61: {  	_ =	shalt  }
0x62: {  	_ =	shalt  }
0x63: {  	_ =	shalt  }
0x64: {  	_ =	shalt  }
0x65: {  	_ =	shalt  }
0x66: {  	_ =	shalt  }
0x67: {  	_ =	shalt  }
0x68: {  	_ =	shalt  }
0x69: {  	_ =	shalt  }
0x6a: {  	_ =	shalt  }
0x6b: {  	_ =	shalt  }
0x6c: {  	_ =	shalt  }
0x6d: {  	_ =	shalt  }
0x6e: {  	_ =	shalt  }
0x6f: {  	_ =	shalt  }
0x70: {  	_ =	shalt  }
0x71: {  	_ =	shalt  }
0x72: {  	_ =	shalt  }
0x73: {  	_ =	shalt  }
0x74: {  	_ =	shalt  }
0x75: {  	_ =	shalt  }
0x76: {  	_ =	shalt  }
0x77: {  	_ =	shalt  }
0x78: {  	_ =	shalt  }
0x79: {  	_ =	shalt  }
0x7a: {  	_ =	shalt  }
0x7b: {  	_ =	shalt  }
0x7c: {  	_ =	shalt  }
0x7d: {  	_ =	shalt  }
0x7e: {  	_ =	shalt  }
0x7f: {  	_ =	shalt  }
0x80: {  	_ =	shalt  }
0x81: {  	_ =	shalt  }
0x82: {  	_ =	shalt  }
0x83: {  	_ =	shalt  }
0x84: {  	_ =	shalt  }
0x85: {  	_ =	shalt  }
0x86: {  	_ =	shalt  }
0x87: {  	_ =	shalt  }
.Lfunc_end0:
.L_simem_size_0:
called_computation_lowered:
.L_overlay_start_0:
0x88: {  	s2 =	sld [smem:$0x3FD9]  }
0x89: {  	s3 =	sld [smem:$0x3FFE];
	_ =	sdelay $0x1  }
0x8a: {  	s1 =	srdreg.scid  }
0x8b: {  	s0 =	sand.u32 $0x1, s1  }
0x8c: {  	s17 =	sshll.u32 s0, $0xA;
	s2 =	sadd.s32 s3, s2  }
0x8d: {  	s2 =	sadd.s32 s2, s17  }
0x8e: {  	[smem:$0x3FBD] =	sst s2  }
0x8f: {  	_ = 	snop  }
0x90: {  	s2 =	sld [smem:$0x3FC9]  }
0x91: {  	s18 =	sld [smem:$0x3FD0];
	(tm) =	ssettm $0x1  }
0x92: {  	s4 =	sld [smem:$0x3FFB];
	_ =	sdelay $0x3  }
0x93: {  	_ =	strace s4  }
0x94: {  	s4 =	sld [smem:$0x3FFC];
	_ =	sdelay $0x3  }
0x95: {  	_ =	strace s4  }
0x96: {  	s4 =	sld [smem:$0x3FFD];
	_ =	sdelay $0x3  }
0x97: {  	_ =	strace s4  }
0x98: {  	_ =	strace $0x8FFFFFFF  }
0x99: {  	s19 =	sld [smem:$0x3FDB];
	_ =	sdelay $0x1  }
0x9a: {  	s5 =	simm.s32 $_scs_section_size  }
0x9b: {  	s6 =	simm.s32 $_size__tile_overlayer_lowered;
	s7 =	simm.s32 $_tile_overlayer_lowered  }
0x9c: {  	s22 =	simm.s32 $0x1BFF;
	s21 =	sshll.u32 s7, $0x1;
	s4 =	sadd.s32 s5, s19  }
0x9d: {  	s8 =	simm.s32 $0x0;
	s20 =	sshll.u32 s6, $0x1;
	s6 =	sadd.s32 s21, s4  }
0x9e: {  	[timem:s8], [sflag:s22] =	dma.local [hbm:s6], s20  }
0x9f: {  	_ =	swait.ge [sflag:s22], s20  }
0xa0: {  	s5 =	ssub.s32 $0x0, s20;
	[sflag:s22] =	ssyncset.done $0x0  }
0xa1: {  	[sflag:s22] =	ssyncadd.s32 s5;
	_ =	sdelay $0x1  }
0xa2: {  	s23 =	simm.s32 $0x1B8B  }
0xa3: {  	_ =	swait.ge [sflag:s23], $0x1  }
0xa4: {  	[sflag:s23] =	ssyncset.done $0x0  }
0xa5: {  	s25 =	simm.s32 $0x1B8E;
	s24 =	sld [smem:$0x3FFE];
	[sflag:s23] =	ssyncadd.s32 $0xFFFFFFFF  }
0xa6: {  	s26 =	simm.s32 $execute0_lowered;
	[smem:$0x3FD2] =	sst s25  }
0xa7: {  	s6 =	sshll.u32 s26, $0x1;
	_ =	strace $0x80000046;
	[dreg:$0x1] =	wrdreg $0xFFFFFFFF  }
0xa8: {  	s28 =	simm.s32 $_size_execute0_lowered;
	s4 =	sadd.s32 s4, s6;
	[dreg:$0x0] =	wrdreg $0x0  }
0xa9: {  	s6 =	sshll.u32 s28, $0x1;
	[dreg:$0x2] =	wrdreg s4  }
0xaa: {  	[dreg:$0x3] =	wrdreg s6  }
0xab: {  	[dreg:$0x4] =	wrdreg $0xC0  }
0xac: {  	_ =	task [dreg:s8], $0x5FFFF  }
0xad: {  	[dreg:$0x1] =	wrdreg $0xFFFFFFFF  }
0xae: {  	[dreg:$0x0] =	wrdreg $0x60  }
0xaf: {  	[dreg:$0x2] =	wrdreg s2  }
0xb0: {  	[dreg:$0x3] =	wrdreg s24  }
0xb1: {  	[dreg:$0x4] =	wrdreg s18  }
0xb2: {  	[dreg:$0x5] =	wrdreg $0xA9000  }
0xb3: {  	[dreg:$0x6] =	wrdreg $0x1E9800  }
0xb4: {  	[dreg:$0x7] =	wrdreg $0x9  }
0xb5: {  	_ =	task.clear_ibuf [dreg:s8], $0x8FFFF;
	_ =	strace $0x90000046  }
0xb6: {  	s29 =	simm.s32 $0x9;
	_ =	strace $0x80000048  }
0xb7: {  	_ =	swait.ge [sflag:s29], $0x1  }
0xb8: {  	[sflag:s29] =	ssyncadd.s32 $0xFFFFFFFF  }
0xb9: {  	_ =	strace $0x90000048  }
0xba: {  	_ =	sfence  }
0xbb: {  	s30 =	sld [smem:$0x0];
	_ =	sdelay $0x2  }
0xbc: {  	s31 =	sshll.u32 s1, $0xD;
	s1 =	sshrl.u32 s1, $0x2  }
0xbd: {  	s3 =	sand.u32 $0x4000, s31;
	s1 =	sadd.s32 s1, s30  }
0xbe: {  	s0 =	sor.u32 s3, s0;
	s1 =	sshll.u32 s1, $0x11  }
0xbf: {  	s0 =	sor.u32 s1, s0  }
0xc0: {  	s0 =	sadd.s32 $0x8F2B, s0  }
0xc1: {  	[sflag:s0] =	ssyncadd.remote.s32 $0x1  }
0xc2: {  	_ =	sfence.sel $0xFFFF  }
0xc3: {  	[dreg:$0x0] =	wrdreg $0xFFFFFFFF;
	(pc) =	sbr.abs _section_cstart, $3  }
0xc4: {  	[dreg:$0x1] =	wrdreg $0xFFFFFFFF  }
0xc5: {  	_ =	task.clear_ibuf [dreg:s8], $0x2FFFF;
	_ =	strace $0x9FFFFFFF  }
0xc6: {  	(tm) =	ssettm $0x7FFFFFFF  }
0xc7: {  	_ =	shalt  }
tec
execute0_lowered:
.L_overlay_start_1:
0x0: {  	(tag) =	ssettag $0x1  }
0x1: {  	s1 =	rddreg [dreg:$0x0]  }
0x2: {  	s0 =	rddreg [dreg:$0x1]  }
0x3: {  	s2 =	rddreg [dreg:$0x2];
	s4 =	srdreg.scid  }
0x4: {  	s17 =	stileid.u32;
	s3 =	rddreg [dreg:$0x3]  }
0x5: {  	s28 =	simm.s32 $0x1E900;
	s29 =	simm.s32 $0x4;
	s8 =	smul.u32 $0x14000, s17  }
0x6: {  	s30 =	simm.s32 $0x2;
	s31 =	simm.s32 $0x0;
	s9 =	smul.u32 $0x280, s17  }
0x7: {  	s6 =	sand.u32 $0x1, s4;
	s5 =	sshll.u32 s17, $0x1;
	s14 =	smul.u32 $0x50000, s17  }
0x8: {  	s4 =	rddreg [dreg:$0x4];
	s15 =	sadd.s32 $0x2E00, s0;
	s21 =	smul.u32 $0x5000, s17  }
0x9: {  	s7 =	sor.u32 s6, s5;
	s5 =	simm.s32 $0x0;
	s12 =	smul.u32 $0x140000, s6  }
0xa: {  	s26 =	ssub.s32 $0x2, s6;
	s20 =	sshll.u32 s6, $0x7;
	s6 =	smul.u32 $0x2800, s6  }
0xb: {  	s7 =	smul.u32 $0x2800, s7;
	[smem:$0x7FF] =	sst s5;
	s11 =	sshrl.u32 s8, $0x3  }
0xc: {  	s13 =	sshrl.u32 s9, $0x3;
	s16 =	sshrl.u32 s26, $0x1;
	s14 =	sshrl.u32 s14, $0x2  }
0xd: {  	_ =	strace $0x80000047;
	s11 =	sadd.s32 s11, s0;
	s8 =	sadd.s32 s8, s12  }
0xe: {  	s13 =	sadd.s32 s13, s0;
	s12 =	ssub.s32 s26, s16;
	s18 =	sadd.s32 s14, s3  }
0xf: {  	s16 =	smul.u32 $0x500, s17;
	s24 =	sadd.s32 s6, s21;
	s26 =	sshll.u32 s17, $0x6  }
0x10: {  	s21 =	simm.s32 $0x2900;
	s7 =	sshrl.u32 s7, $0x3;
	s8 =	sshrl.u32 s8, $0x3  }
0x11: {  	s19 =	sadd.s32 $0x17400, s11;
	s22 =	sadd.s32 $0x16E00, s13;
	s12 =	smax.u32 s12, $0x1  }
0x12: {  	s25 =	sor.u32 $0x80, s24;
	s17 =	sor.u32 $0x1C05, s26;
	s18 =	sshrl.u32 s18, $0x3  }
0x13: {  	s26 =	simm.s32 $0x1;
	s10 =	sadd.s32 s7, s0;
	[dreg:$0x7] =	wrdreg s19  }
0x14: {  	s0 =	sadd.s32 s8, s0;
	s19 =	sadd.s32 s9, s4;
	[dreg:$0x8] =	wrdreg s22  }
0x15: {  	s9 =	sadd.s32 s15, s7;
	s22 =	simm.s32 $0x2880;
	s10 =	sadd.s32 $0xCE00, s10  }
0x16: {  	s0 =	sadd.s32 $0x3F400, s0;
	s13 =	sadd.s32 $0x4F0, s9;
	[dreg:$0x6] =	wrdreg s10  }
0x17: {  	s19 =	sshrl.u32 s19, $0x3;
	s10 =	sor.u32 s20, s16;
	[dreg:$0x9] =	wrdreg s0  }
0x18: {  	s0 =	sor.u32 $0x100, s24;
	s16 =	simm.s32 $0x5;
	s20 =	simm.s32 $0x2800  }
0x19: {  	s24 =	simm.s32 $0x6900;
	s23 =	sshrl.u32 s10, $0x3;
	s0 =	sshrl.u32 s0, $0x3  }
0x1a: {  	s11 =	sadd.s32 s2, s23;
	s2 =	sshrl.u32 s25, $0x3;
	s23 =	simm.s32 $0x80  }
0x1b: {  	v0 =	vimm.f32 $1.000000000e+00;
	s25 =	simm.s32 $0x3;
	s14 =	sadd.s32 s2, s15;
	s15 =	sadd.s32 s0, s15  }
.LBB2_1:
0x1c: {  	s0 =	rddreg [dreg:$0x6]  }
0x1d: {  	[tilespmem:s5], [sflag:$0x5] =	stream.linear.gather [hbm4b:s0+s5], $0x2800, $0x38;
	[tilespmem:$0x1EC00] =	vst v63  }
0x1e: {  	_ =	swait.ge [sflag:s16], $0x2800  }
0x1f: {  	[sflag:s16] =	ssyncset.done $0x0  }
0x20: {  	s2 =	rddreg [dreg:$0x7];
	[sflag:s16] =	ssyncadd.s32 $0xFFFFD800  }
0x21: {  	[spmem:s18], [sflag:s17] =	dma.local [hbm:s2], $0x2800  }
0x22: {  	_ =	swait.ge [sflag:s16], $0x2800  }
0x23: {  	[sflag:s16] =	ssyncset.done $0x0  }
0x24: {  	[sflag:s16] =	ssyncadd.s32 $0xFFFFD800  }
0x25: {  	[tilespmem:$0x1E900] =	vst v0  }
0x26: {  	[tilespmem:$0x1E910] =	vst v0  }
0x27: {  	[tilespmem:$0x1E920] =	vst v0  }
0x28: {  	[tilespmem:$0x1E930] =	vst v0  }
0x29: {  	[tilespmem:$0x1E940] =	vst v0  }
0x2a: {  	[tilespmem:$0x1E950] =	vst v0  }
0x2b: {  	[tilespmem:$0x1E960] =	vst v0  }
0x2c: {  	s6 =	rddreg [dreg:$0x8];
	[tilespmem:$0x1E970] =	vst v0  }
0x2d: {  	[spmem:s19], [sflag:s17] =	dma.local [hbm:s6], $0x50  }
0x2e: {  	_ =	swait.ge [sflag:s16], $0x50  }
0x2f: {  	[sflag:s16] =	ssyncset.done $0x0  }
0x30: {  	[sflag:s16] =	ssyncadd.s32 $0xFFFFFFB0  }
0x31: {  	[bflag:$0x0] =	sbarrier.arrive $0xFFFF  }
0x32: {  	[tilespmem:s20], [sflag:$0x3] =	stream.linear.gather [hbm4b:s9+s5], $0x80, $0x38;
	[tilespmem:$0x1EC00] =	vst v63  }
0x33: {  	_ = 	snop  }
0x34: {  	[tilespmem:s21], [sflag:$0x1] =	stream.indirect.gather [hbm4b:s1+s23], $0x80, s5, s23, $0xb8;
	[tilespmem:$0x1EC00] =	vst v63  }
0x35: {  	s7 =	sadd.s32 $0x0, s14  }
0x36: {  	[tilespmem:s22], [sflag:$0x4] =	stream.linear.gather [hbm4b:s7+s5], $0x80, $0x38;
	[tilespmem:$0x1EC00] =	vst v63  }
0x37: {  	_ = 	snop  }
0x38: {  	[tilespmem:s24], [sflag:$0x2] =	stream.indirect.gather [hbm4b:s1+s23], $0x80, s23, s23, $0xb8;
	[tilespmem:$0x1EC00] =	vst v63  }
0x39: {  	_ =	swait.ge [sflag:s25], $0x80  }
0x3a: {  	[sflag:s25] =	ssyncset.done $0x0  }
0x3b: {  	[sflag:s25] =	ssyncadd.s32 $0xFFFFFF80  }
0x3c: {  	_ =	swait.ge [sflag:s26], $0x4000  }
0x3d: {  	[sflag:s26] =	ssyncset.done $0x0  }
0x3e: {  	[sflag:s26] =	ssyncadd.s32 $0xFFFFC000  }
0x3f: {  	[spmem:s3] =	stream.indirect.scatter.add.f32 [tilespmem:s21], [sflag:$0x5], $0x80, s20, s23, $0xb8;
	[tilespmem:$0x1EC00] =	vst v63  }
0x40: {  	_ =	swait.ge [sflag:s16], $0x4000  }
0x41: {  	[sflag:s16] =	ssyncset.done $0x0  }
0x42: {  	[sflag:s16] =	ssyncadd.s32 $0xFFFFC000  }
0x43: {  	[spmem:s4] =	stream.indirect.scatter.add.f32 [tilespmem:s28], [sflag:$0x5], $0x1, s20, s23, $0xb8;
	[tilespmem:$0x1EC00] =	vst v63  }
0x44: {  	_ =	swait.ge [sflag:s16], $0x80  }
0x45: {  	[sflag:s16] =	ssyncset.done $0x0  }
0x46: {  	s8 =	sadd.s32 $0x0, s15;
	[sflag:s16] =	ssyncadd.s32 $0xFFFFFF80  }
0x47: {  	[tilespmem:s20], [sflag:$0x3] =	stream.linear.gather [hbm4b:s8+s5], $0x80, $0x38;
	[tilespmem:$0x1EC00] =	vst v63  }
0x48: {  	s10 =	simm.s32 $0x100  }
0x49: {  	[tilespmem:s21], [sflag:$0x1] =	stream.indirect.gather [hbm4b:s1+s23], $0x80, s10, s23, $0xb8;
	[tilespmem:$0x1EC00] =	vst v63  }
0x4a: {  	_ =	swait.ge [sflag:s29], $0x80  }
0x4b: {  	[sflag:s29] =	ssyncset.done $0x0  }
0x4c: {  	[sflag:s29] =	ssyncadd.s32 $0xFFFFFF80  }
0x4d: {  	_ =	swait.ge [sflag:s30], $0x4000  }
0x4e: {  	[sflag:s30] =	ssyncset.done $0x0  }
0x4f: {  	[sflag:s30] =	ssyncadd.s32 $0xFFFFC000  }
0x50: {  	[spmem:s3] =	stream.indirect.scatter.add.f32 [tilespmem:s24], [sflag:$0x5], $0x80, s22, s23, $0xb8;
	[tilespmem:$0x1EC00] =	vst v63  }
0x51: {  	_ =	swait.ge [sflag:s16], $0x4000  }
0x52: {  	[sflag:s16] =	ssyncset.done $0x0  }
0x53: {  	[sflag:s16] =	ssyncadd.s32 $0xFFFFC000  }
0x54: {  	[spmem:s4] =	stream.indirect.scatter.add.f32 [tilespmem:s28], [sflag:$0x5], $0x1, s22, s23, $0xb8;
	[tilespmem:$0x1EC00] =	vst v63  }
0x55: {  	s0 =	simm.s32 $0x180;
	_ =	swait.ge [sflag:s16], $0x80  }
0x56: {  	s2 =	simm.s32 $0x20;
	s6 =	simm.s32 $0x40;
	[sflag:s16] =	ssyncset.done $0x0  }
.LBB2_2:
0x57: {  	s8 =	sadd.s32 s2, s14  }
0x58: {  	[sflag:s16] =	ssyncadd.s32 $0xFFFFFF80;
	s10 =	smov.u32 s6;
	s7 =	sadd.s32 $0x20, s6  }
0x59: {  	[tilespmem:s22], [sflag:$0x4] =	stream.linear.gather [hbm4b:s8+s5], $0x80, $0x38;
	[tilespmem:$0x1EC00] =	vst v63  }
0x5a: {  	p0 =	sne.s32 s6, $0x4C0  }
0x5b: {  	[tilespmem:s24], [sflag:$0x2] =	stream.indirect.gather [hbm4b:s1+s23], $0x80, s0, s23, $0xb8;
	[tilespmem:$0x1EC00] =	vst v63  }
0x5c: {  	_ =	swait.ge [sflag:s25], $0x80  }
0x5d: {  	[sflag:s25] =	ssyncset.done $0x0  }
0x5e: {  	[sflag:s25] =	ssyncadd.s32 $0xFFFFFF80  }
0x5f: {  	_ =	swait.ge [sflag:s26], $0x4000  }
0x60: {  	[sflag:s26] =	ssyncset.done $0x0  }
0x61: {  	[sflag:s26] =	ssyncadd.s32 $0xFFFFC000  }
0x62: {  	[spmem:s3] =	stream.indirect.scatter.add.f32 [tilespmem:s21], [sflag:$0x5], $0x80, s20, s23, $0xb8;
	[tilespmem:$0x1EC00] =	vst v63  }
0x63: {  	_ =	swait.ge [sflag:s16], $0x4000  }
0x64: {  	[sflag:s16] =	ssyncset.done $0x0  }
0x65: {  	[sflag:s16] =	ssyncadd.s32 $0xFFFFC000  }
0x66: {  	[spmem:s4] =	stream.indirect.scatter.add.f32 [tilespmem:s28], [sflag:$0x5], $0x1, s20, s23, $0xb8;
	[tilespmem:$0x1EC00] =	vst v63  }
0x67: {  	_ =	swait.ge [sflag:s16], $0x80  }
0x68: {  	[sflag:s16] =	ssyncset.done $0x0  }
0x69: {  	s6 =	sadd.s32 s2, s15;
	s2 =	smov.u32 s10;
	[sflag:s16] =	ssyncadd.s32 $0xFFFFFF80  }
0x6a: {  	[tilespmem:s20], [sflag:$0x3] =	stream.linear.gather [hbm4b:s6+s5], $0x80, $0x38;
	[tilespmem:$0x1EC00] =	vst v63  }
0x6b: {  	s6 =	sadd.s32 $0x80, s0  }
0x6c: {  	[tilespmem:s21], [sflag:$0x1] =	stream.indirect.gather [hbm4b:s1+s23], $0x80, s6, s23, $0xb8;
	[tilespmem:$0x1EC00] =	vst v63  }
0x6d: {  	_ =	swait.ge [sflag:s29], $0x80  }
0x6e: {  	[sflag:s29] =	ssyncset.done $0x0  }
0x6f: {  	[sflag:s29] =	ssyncadd.s32 $0xFFFFFF80  }
0x70: {  	_ =	swait.ge [sflag:s30], $0x4000  }
0x71: {  	[sflag:s30] =	ssyncset.done $0x0  }
0x72: {  	[sflag:s30] =	ssyncadd.s32 $0xFFFFC000  }
0x73: {  	[spmem:s3] =	stream.indirect.scatter.add.f32 [tilespmem:s24], [sflag:$0x5], $0x80, s22, s23, $0xb8;
	[tilespmem:$0x1EC00] =	vst v63  }
0x74: {  	_ =	swait.ge [sflag:s16], $0x4000  }
.Ltmp0:
0x75: {  	[sflag:s16] =	ssyncset.done $0x0;
	(pc) =	sbr.rel @p0 .LBB2_2-.Ltmp0, $4  }
0x76: {  	[sflag:s16] =	ssyncadd.s32 $0xFFFFC000  }
0x77: {  	[spmem:s4] =	stream.indirect.scatter.add.f32 [tilespmem:s28], [sflag:$0x5], $0x1, s22, s23, $0xb8;
	[tilespmem:$0x1EC00] =	vst v63  }
0x78: {  	_ =	swait.ge [sflag:s16], $0x80  }
0x79: {  	s0 =	sadd.s32 $0x100, s0;
	s6 =	smov.u32 s7;
	[sflag:s16] =	ssyncset.done $0x0  }
0x7a: {  	s6 =	sadd.s32 s2, s14;
	[sflag:s16] =	ssyncadd.s32 $0xFFFFFF80  }
0x7b: {  	[tilespmem:s22], [sflag:$0x4] =	stream.linear.gather [hbm4b:s6+s5], $0x80, $0x38;
	[tilespmem:$0x1EC00] =	vst v63  }
0x7c: {  	_ = 	snop  }
0x7d: {  	[tilespmem:s24], [sflag:$0x2] =	stream.indirect.gather [hbm4b:s1+s23], $0x80, s0, s23, $0xb8;
	[tilespmem:$0x1EC00] =	vst v63  }
0x7e: {  	_ =	swait.ge [sflag:s25], $0x80  }
0x7f: {  	[sflag:s25] =	ssyncset.done $0x0  }
0x80: {  	[sflag:s25] =	ssyncadd.s32 $0xFFFFFF80  }
0x81: {  	_ =	swait.ge [sflag:s26], $0x4000  }
0x82: {  	[sflag:s26] =	ssyncset.done $0x0  }
0x83: {  	[sflag:s26] =	ssyncadd.s32 $0xFFFFC000  }
0x84: {  	[spmem:s3] =	stream.indirect.scatter.add.f32 [tilespmem:s21], [sflag:$0x5], $0x80, s20, s23, $0xb8;
	[tilespmem:$0x1EC00] =	vst v63  }
0x85: {  	_ =	swait.ge [sflag:s16], $0x4000  }
0x86: {  	[sflag:s16] =	ssyncset.done $0x0  }
0x87: {  	[sflag:s16] =	ssyncadd.s32 $0xFFFFC000  }
0x88: {  	[spmem:s4] =	stream.indirect.scatter.add.f32 [tilespmem:s28], [sflag:$0x5], $0x1, s20, s23, $0xb8;
	[tilespmem:$0x1EC00] =	vst v63  }
0x89: {  	_ =	swait.ge [sflag:s16], $0x80  }
0x8a: {  	[sflag:s16] =	ssyncset.done $0x0  }
0x8b: {  	s10 =	sadd.s32 s2, s15;
	[sflag:s16] =	ssyncadd.s32 $0xFFFFFF80  }
0x8c: {  	[tilespmem:s20], [sflag:$0x3] =	stream.linear.gather [hbm4b:s10+s5], $0x80, $0x38;
	[tilespmem:$0x1EC00] =	vst v63  }
0x8d: {  	s2 =	sadd.s32 $0x80, s0  }
0x8e: {  	[tilespmem:s21], [sflag:$0x1] =	stream.indirect.gather [hbm4b:s1+s23], $0x80, s2, s23, $0xb8;
	[tilespmem:$0x1EC00] =	vst v63  }
0x8f: {  	_ =	swait.ge [sflag:s29], $0x80  }
0x90: {  	[sflag:s29] =	ssyncset.done $0x0  }
0x91: {  	[sflag:s29] =	ssyncadd.s32 $0xFFFFFF80  }
0x92: {  	_ =	swait.ge [sflag:s30], $0x4000  }
0x93: {  	[sflag:s30] =	ssyncset.done $0x0  }
0x94: {  	[sflag:s30] =	ssyncadd.s32 $0xFFFFC000  }
0x95: {  	[spmem:s3] =	stream.indirect.scatter.add.f32 [tilespmem:s24], [sflag:$0x5], $0x80, s22, s23, $0xb8;
	[tilespmem:$0x1EC00] =	vst v63  }
0x96: {  	_ =	swait.ge [sflag:s16], $0x4000  }
0x97: {  	[sflag:s16] =	ssyncset.done $0x0  }
0x98: {  	[sflag:s16] =	ssyncadd.s32 $0xFFFFC000  }
0x99: {  	[spmem:s4] =	stream.indirect.scatter.add.f32 [tilespmem:s28], [sflag:$0x5], $0x1, s22, s23, $0xb8;
	[tilespmem:$0x1EC00] =	vst v63  }
0x9a: {  	_ =	swait.ge [sflag:s16], $0x80  }
0x9b: {  	[sflag:s16] =	ssyncset.done $0x0  }
0x9c: {  	[sflag:s16] =	ssyncadd.s32 $0xFFFFFF80  }
0x9d: {  	[tilespmem:s22], [sflag:$0x4] =	stream.linear.gather [hbm4b:s13+s5], $0x80, $0x38;
	[tilespmem:$0x1EC00] =	vst v63  }
0x9e: {  	s6 =	simm.s32 $0x2780  }
0x9f: {  	[tilespmem:s24], [sflag:$0x2] =	stream.indirect.gather [hbm4b:s1+s23], $0x80, s6, s23, $0xb8;
	[tilespmem:$0x1EC00] =	vst v63  }
0xa0: {  	_ =	swait.ge [sflag:s25], $0x80  }
0xa1: {  	[sflag:s25] =	ssyncset.done $0x0  }
0xa2: {  	[sflag:s25] =	ssyncadd.s32 $0xFFFFFF80  }
0xa3: {  	_ =	swait.ge [sflag:s26], $0x4000  }
0xa4: {  	[sflag:s26] =	ssyncset.done $0x0  }
0xa5: {  	[sflag:s26] =	ssyncadd.s32 $0xFFFFC000  }
0xa6: {  	[spmem:s3] =	stream.indirect.scatter.add.f32 [tilespmem:s21], [sflag:$0x5], $0x80, s20, s23, $0xb8;
	[tilespmem:$0x1EC00] =	vst v63  }
0xa7: {  	_ =	swait.ge [sflag:s16], $0x4000  }
0xa8: {  	[sflag:s16] =	ssyncset.done $0x0  }
0xa9: {  	[sflag:s16] =	ssyncadd.s32 $0xFFFFC000  }
0xaa: {  	[spmem:s4] =	stream.indirect.scatter.add.f32 [tilespmem:s28], [sflag:$0x5], $0x1, s20, s23, $0xb8;
	[tilespmem:$0x1EC00] =	vst v63  }
0xab: {  	_ =	swait.ge [sflag:s16], $0x80  }
0xac: {  	[sflag:s16] =	ssyncset.done $0x0  }
0xad: {  	[sflag:s16] =	ssyncadd.s32 $0xFFFFFF80  }
0xae: {  	_ =	swait.ge [sflag:s29], $0x80  }
0xaf: {  	[sflag:s29] =	ssyncset.done $0x0  }
0xb0: {  	[sflag:s29] =	ssyncadd.s32 $0xFFFFFF80  }
0xb1: {  	_ =	swait.ge [sflag:s30], $0x4000  }
0xb2: {  	[sflag:s30] =	ssyncset.done $0x0  }
0xb3: {  	[sflag:s30] =	ssyncadd.s32 $0xFFFFC000  }
0xb4: {  	[spmem:s3] =	stream.indirect.scatter.add.f32 [tilespmem:s24], [sflag:$0x5], $0x80, s22, s23, $0xb8;
	[tilespmem:$0x1EC00] =	vst v63  }
0xb5: {  	_ =	swait.ge [sflag:s16], $0x4000  }
0xb6: {  	[sflag:s16] =	ssyncset.done $0x0  }
0xb7: {  	[sflag:s16] =	ssyncadd.s32 $0xFFFFC000  }
0xb8: {  	[spmem:s4] =	stream.indirect.scatter.add.f32 [tilespmem:s28], [sflag:$0x5], $0x1, s22, s23, $0xb8;
	[tilespmem:$0x1EC00] =	vst v63  }
0xb9: {  	_ =	swait.ge [sflag:s16], $0x80  }
0xba: {  	[sflag:s16] =	ssyncset.done $0x0  }
0xbb: {  	[sflag:s16] =	ssyncadd.s32 $0xFFFFFF80  }
0xbc: {  	[bflag:$0x0] =	sbarrier.arrive $0xFFFF  }
0xbd: {  	s7 =	rddreg [dreg:$0x9]  }
0xbe: {  	[hbm:s7], [sflag:s17] =	dma.local [spmem:s18], $0x2800  }
0xbf: {  	s31 =	sadd.s32 $0x1, s31;
	_ =	swait.ge [sflag:s16], $0x2800  }
0xc0: {  	s8 =	simm.s32 $0x20;
	p0 =	sne.s32 s31, s12;
	[sflag:s16] =	ssyncset.done $0x0  }
.Ltmp1:
0xc1: {  	s10 =	simm.s32 $0x10;
	[sflag:s16] =	ssyncadd.s32 $0xFFFFD800;
	(pc) =	sbr.rel @p0 .LBB2_1-.Ltmp1, $4  }
0xc2: {  	[hbm:s11@s8], [sflag:s17] =	dma.strided [spmem:s19@s10], $0x50, s26, $0x10   }
0xc3: {  	_ =	swait.ge [sflag:s16], $0x50  }
0xc4: {  	[sflag:s16] =	ssyncset.done $0x0  }
0xc5: {  	[sflag:s16] =	ssyncadd.s32 $0xFFFFFFB0  }
0xc6: {  	_ =	sfence.sel $0x180000  }
0xc7: {  	[bflag:$0x0] =	sbarrier.arrive $0xFFFF  }
0xc8: {  	_ =	strace $0x90000047  }
0xc9: {  	s0 =	stileid.u32;
	[bflag:$0x2] =	sbarrier.arrive $0xFFFF  }
0xca: {  	p0 =	sne.s32 s0, $0x0;
	s0 =	rddreg [dreg:$0x5]  }
0xcb: {  	s0 =	sadd.s32 @!p0 $0x100000, s0  }
0xcc: {  	[sflag:s0] =	ssyncadd.tile.s32 @!p0 $0x1;
	_ =	shalt  }
.Lfunc_end2:
_tile_overlayer_lowered:
.L_overlay_start_2:
0xcd: {  	(tag) =	ssettag $0x2  }
0xce: {  	s0 =	rddreg [dreg:$0x0];
	s2 =	stileid.u32  }
0xcf: {  	s1 =	rddreg [dreg:$0x1];
	p0 =	sne.s32 s2, $0x0  }
0xd0: {  	s3 =	rddreg [dreg:$0x2];
	[bflag:$0x3] =	sbarrier.arrive $0xFFFF;
	s2 =	simm.s32 @!p0 $0x1C05  }
0xd1: {  	[timem:s3], [sflag:s2] =	dma.local @!p0 [hbm:s0], s1  }
0xd2: {  	s0 =	simm.s32 @!p0 $0x5  }
0xd3: {  	_ =	swait.ge @!p0 [sflag:s0], s1  }
0xd4: {  	s1 =	ssub.s32 @!p0 $0x0, s1;
	[sflag:s0] =	ssyncset.done @!p0 $0x0  }
0xd5: {  	[sflag:s0] =	ssyncadd.s32 @!p0 s1  }
0xd6: {  	[bflag:$0x3] =	sbarrier.arrive $0xFFFF  }
0xd7: {  	_ =	shalt  }

</sc_bundles>
